<compile_context>
chip_gen: v7x
topology: tpu7x:2x2x1
jax: 0.10.2.dev20260603
libtpu: 0.0.44.dev20260713+nightly
codegen_flags: <defaults>
</compile_context>

<pallas_src>
import functools

import jax
import jax.numpy as jnp
from jax import lax
from jax.experimental import pallas as pl
from jax.experimental.pallas import tpu as pltpu
from jax.experimental.pallas import tpu_sc as plsc

NC = 2
NS = 16
LANES = 16
CHUNK = 128
ROWS_BLK = 2000
NH = 2
NR = 2


def _npad(n):
    return -(-(n + 1) // CHUNK) * CHUNK


def _npadx(n):
    return -(-(n + 1) // (NR * CHUNK)) * (NR * CHUNK)



def _deg_call(dst_chunks, n):
    n_chunks = dst_chunks.shape[0]
    cpt = n_chunks // (NC * NS)
    deg_rows = _npad(n)
    zslices = deg_rows // CHUNK
    zpt = -(-zslices // NS)
    wpt = deg_rows // NS

    @functools.partial(
        pl.kernel,
        out_type=jax.ShapeDtypeStruct((NC * deg_rows, LANES), jnp.float32),
        mesh=plsc.VectorSubcoreMesh(core_axis_name="c", subcore_axis_name="s"),
        scratch_types=[
            pltpu.VMEM((cpt, CHUNK), jnp.int32),
            pltpu.VMEM((CHUNK, LANES), jnp.float32),
            pltpu.VMEM((CHUNK, LANES), jnp.float32),
            pltpu.VMEM_SHARED((deg_rows, LANES), jnp.float32),
        ],
    )
    def deg_kernel(dst_hbm, out_hbm, idx_v, zeros_v, ones_v, deg_sh):
        c = lax.axis_index("c")
        s = lax.axis_index("s")
        tile = c * NS + s

        def fill(i, carry):
            zeros_v[i, :] = jnp.zeros((LANES,), jnp.float32)
            ones_v[i, :] = jnp.full((LANES,), 1.0, jnp.float32)
            return carry
        lax.fori_loop(0, CHUNK, fill, 0)

        pltpu.sync_copy(dst_hbm.at[pl.ds(tile * cpt, cpt)], idx_v)

        def zero(i, carry):
            j = s * zpt + i

            @pl.when(j < zslices)
            def _():
                pltpu.sync_copy(zeros_v, deg_sh.at[pl.ds(j * CHUNK, CHUNK)])
            return carry
        lax.fori_loop(0, zpt, zero, 0)
        plsc.subcore_barrier()

        def body(k, carry):
            pltpu.sync_copy(ones_v, deg_sh.at[idx_v.at[k]], add=True)
            return carry
        lax.fori_loop(0, cpt, body, 0)
        plsc.subcore_barrier()

        pltpu.sync_copy(deg_sh.at[pl.ds(s * wpt, wpt)],
                        out_hbm.at[pl.ds(c * deg_rows + s * wpt, wpt)])

    return deg_kernel(dst_chunks)



def _agg_call(gflat, src2_chunks, dstr_chunks):
    n_chunks = dstr_chunks.shape[0] // NR
    cpt = n_chunks // NS
    d = gflat.shape[1]
    npx = gflat.shape[0] // NH
    nph = npx // NR
    acc_rows = nph + 64
    wpt = nph // NS

    nbuf = 2

    @functools.partial(
        pl.kernel,
        out_type=jax.ShapeDtypeStruct((NH * npx, d), jnp.float32),
        mesh=plsc.VectorSubcoreMesh(core_axis_name="c", subcore_axis_name="s"),
        scratch_types=[
            pltpu.VMEM((cpt, CHUNK), jnp.int32),
            pltpu.VMEM((cpt, CHUNK), jnp.int32),
        ] + [pltpu.VMEM((CHUNK, d), jnp.float32) for _ in range(nbuf)]
          + [pltpu.SemaphoreType.DMA for _ in range(2 * nbuf)]
          + [pltpu.VMEM_SHARED((acc_rows, d), jnp.float32)],
    )
    def agg_kernel(g_hbm, src_hbm, dst_hbm, out_hbm, src_v, dst_v, *rest):
        rows = rest[:nbuf]
        gsem = rest[nbuf:2 * nbuf]
        ssem = rest[2 * nbuf:3 * nbuf]
        acc_sh = rest[3 * nbuf]
        c = lax.axis_index("c")
        s = lax.axis_index("s")

        pltpu.sync_copy(src_hbm.at[pl.ds(c * n_chunks + s * cpt, cpt)], src_v)

        for r in range(NR):
            pltpu.sync_copy(
                dst_hbm.at[pl.ds(r * n_chunks + s * cpt, cpt)], dst_v)
            pltpu.sync_copy(
                g_hbm.at[pl.ds(c * npx + r * nph + s * wpt, wpt)],
                acc_sh.at[pl.ds(s * wpt, wpt)])
            plsc.subcore_barrier()

            def group(gi, carry):
                base = gi * nbuf
                for b in range(nbuf):
                    pltpu.async_copy(g_hbm.at[src_v.at[base + b]], rows[b],
                                     gsem[b])
                for b in range(nbuf):
                    pltpu.make_async_copy(g_hbm.at[src_v.at[base + b]],
                                          rows[b], gsem[b]).wait()
                    pltpu.async_copy(rows[b], acc_sh.at[dst_v.at[base + b]],
                                     ssem[b], add=True)
                for b in range(nbuf):
                    pltpu.make_async_copy(rows[b],
                                          acc_sh.at[dst_v.at[base + b]],
                                          ssem[b]).wait()
                return carry
            lax.fori_loop(0, cpt // nbuf, group, 0)
            plsc.subcore_barrier()

            pltpu.sync_copy(acc_sh.at[pl.ds(s * wpt, wpt)],
                            out_hbm.at[pl.ds(c * npx + r * nph + s * wpt,
                                             wpt)])
            plsc.subcore_barrier()

    return agg_kernel(gflat, src2_chunks, dstr_chunks)



def _dinv(deg_ref):
    return lax.rsqrt(deg_ref[0][:, :1] + deg_ref[1][:, :1] + 1.0)


def _write_halves(g_ref, g):
    d = g.shape[1] // NH
    for q in range(NH):
        g_ref[q] = g[:, q * d:(q + 1) * d]


def _t1_body(deg_ref, x_ref, w_ref, g_ref):
    dinv = _dinv(deg_ref)
    h = jnp.dot(x_ref[...], w_ref[...], preferred_element_type=jnp.float32)
    _write_halves(g_ref, h * dinv)


def _t1_call(deg2, x, w1):
    n, f = x.shape
    h = w1.shape[1]
    return pl.pallas_call(
        _t1_body,
        grid=(n // ROWS_BLK,),
        in_specs=[
            pl.BlockSpec((2, ROWS_BLK, LANES), lambda i: (0, i, 0)),
            pl.BlockSpec((ROWS_BLK, f), lambda i: (i, 0)),
            pl.BlockSpec((f, h), lambda i: (0, 0)),
        ],
        out_specs=pl.BlockSpec((NH, ROWS_BLK, h // NH), lambda i: (0, i, 0)),
        out_shape=jax.ShapeDtypeStruct((NH, _npadx(n), h // NH), jnp.float32),
    )(deg2, x, w1)


def _relu_in(deg_ref, s_ref, b_ref):
    dinv = _dinv(deg_ref)
    sfull = jnp.concatenate([s_ref[0], s_ref[1]], axis=1)
    return dinv, jnp.maximum(sfull * dinv + b_ref[...], 0.0)


def _t2_body(deg_ref, s_ref, b_ref, w_ref, g_ref):
    dinv, o = _relu_in(deg_ref, s_ref, b_ref)
    hh = jnp.dot(o, w_ref[...], preferred_element_type=jnp.float32)
    _write_halves(g_ref, hh * dinv)


def _t2_call(deg2, s1, b1, w2, n):
    d = s1.shape[2]
    h = w2.shape[1]
    return pl.pallas_call(
        _t2_body,
        grid=(n // ROWS_BLK,),
        in_specs=[
            pl.BlockSpec((2, ROWS_BLK, LANES), lambda i: (0, i, 0)),
            pl.BlockSpec((NH, ROWS_BLK, d), lambda i: (0, i, 0)),
            pl.BlockSpec((1, NH * d), lambda i: (0, 0)),
            pl.BlockSpec((NH * d, h), lambda i: (0, 0)),
        ],
        out_specs=pl.BlockSpec((NH, ROWS_BLK, h // NH), lambda i: (0, i, 0)),
        out_shape=jax.ShapeDtypeStruct((NH, _npadx(n), h // NH), jnp.float32),
    )(deg2, s1, b1.reshape(1, -1), w2)


def _t3_body(deg_ref, s_ref, b_ref, wl_ref, bl_ref, o_ref):
    _, o = _relu_in(deg_ref, s_ref, b_ref)
    logits = jnp.dot(o, wl_ref[...], preferred_element_type=jnp.float32)
    logits = logits + bl_ref[...]
    m = jnp.max(logits, axis=1, keepdims=True)
    ex = jnp.exp(logits - m)
    lse = jnp.log(jnp.sum(ex, axis=1, keepdims=True))
    o_ref[...] = logits - m - lse


def _t3_call(deg2, s2, b2, wl, bl, n):
    d = s2.shape[2]
    k = wl.shape[1]
    return pl.pallas_call(
        _t3_body,
        grid=(n // ROWS_BLK,),
        in_specs=[
            pl.BlockSpec((2, ROWS_BLK, LANES), lambda i: (0, i, 0)),
            pl.BlockSpec((NH, ROWS_BLK, d), lambda i: (0, i, 0)),
            pl.BlockSpec((1, NH * d), lambda i: (0, 0)),
            pl.BlockSpec((NH * d, k), lambda i: (0, 0)),
            pl.BlockSpec((1, k), lambda i: (0, 0)),
        ],
        out_specs=pl.BlockSpec((ROWS_BLK, k), lambda i: (i, 0)),
        out_shape=jax.ShapeDtypeStruct((n, k), jnp.float32),
    )(deg2, s2, b2.reshape(1, -1), wl, bl.reshape(1, -1))



def kernel(x, edge_index, W1, b1, W2, b2, Wl, bl):
    n = x.shape[0]
    e = edge_index.shape[1]
    ei = edge_index.astype(jnp.int32)
    npx = _npadx(n)
    nph = npx // NR
    egrain = CHUNK * NC * NS * 8
    epad = -(-e // egrain) * egrain
    pad = epad - e
    src = jnp.concatenate([ei[0], jnp.zeros((pad,), jnp.int32)])
    dst = jnp.concatenate([ei[1], jnp.full((pad,), n, jnp.int32)])
    dst_chunks = dst.reshape(-1, CHUNK)
    src2 = jnp.concatenate([src + q * npx for q in range(NH)]).reshape(-1, CHUNK)
    dstr = jnp.concatenate(
        [jnp.where((dst >= r * nph) & (dst < (r + 1) * nph), dst - r * nph, nph)
         for r in range(NR)]).reshape(-1, CHUNK)

    deg2 = _deg_call(dst_chunks, n).reshape(NC, -1, LANES)

    def agg_layer(gh):
        gflat = gh.reshape(NH * npx, -1)
        return _agg_call(gflat, src2, dstr).reshape(NH, npx, -1)

    g1 = _t1_call(deg2, x, W1)
    s1 = agg_layer(g1)
    g2 = _t2_call(deg2, s1, b1, W2, n)
    s2 = agg_layer(g2)
    out = _t3_call(deg2, s2, b2, Wl, bl, n)
    return (out, edge_index)

# --- scband reference (transcript-rebuilt; emitter-appended) ---
"""Pipeline reference for scband-gcnconvolution-lin-72911364817005 (READ-ONLY COPY).

The authoritative reference and input builder live on the scoring server;
editing this copy changes nothing except your own understanding.
"""

import jax, jax.numpy as jnp
import numpy as np


def gcn_conv(x, edge_index, W, b):
    num_nodes = x.shape[0]
    src = edge_index[0]
    dst = edge_index[1]
    # add self-loops (PyG GCNConv default add_self_loops=True)
    loop = jnp.arange(num_nodes, dtype=src.dtype)
    src = jnp.concatenate([src, loop])
    dst = jnp.concatenate([dst, loop])
    # symmetric normalization deg^{-1/2}[src] * deg^{-1/2}[dst]
    deg = jnp.zeros((num_nodes,), dtype=x.dtype).at[dst].add(1.0)
    deg_inv_sqrt = jnp.where(deg > 0, jax.lax.rsqrt(deg), 0.0)
    norm = deg_inv_sqrt[src] * deg_inv_sqrt[dst]
    # transform then propagate
    h = x @ W
    msgs = h[src] * norm[:, None]
    out = jnp.zeros((num_nodes, W.shape[1]), dtype=x.dtype).at[dst].add(msgs)
    return out + b


def setup_inputs(seed: int = 0) -> dict:
    key = jax.random.key(seed)
    ks = jax.random.split(key, 8)
    num_nodes = 10000
    num_edges = 320000
    num_features = 128
    hidden_units = 256
    num_classes = 64
    x = jax.random.normal(ks[0], (num_nodes, num_features), dtype=jnp.float32)
    edge_index = jax.random.randint(ks[1], (2, num_edges), 0, num_nodes, dtype=jnp.int64)
    W1 = jax.random.normal(ks[2], (num_features, hidden_units), dtype=jnp.float32) * 0.05
    b1 = jnp.zeros((hidden_units,), dtype=jnp.float32)
    W2 = jax.random.normal(ks[3], (hidden_units, hidden_units), dtype=jnp.float32) * 0.05
    b2 = jnp.zeros((hidden_units,), dtype=jnp.float32)
    Wl = jax.random.normal(ks[4], (hidden_units, num_classes), dtype=jnp.float32) * 0.05
    bl = jnp.zeros((num_classes,), dtype=jnp.float32)
    return {"x": x, "edge_index": edge_index, "W1": W1, "b1": b1, "W2": W2, "b2": b2, "Wl": Wl, "bl": bl}


def reference(x, edge_index, W1, b1, W2, b2, Wl, bl):
    # eval mode: dropout is identity
    h = jax.nn.relu(gcn_conv(x, edge_index, W1, b1))
    h = jax.nn.relu(gcn_conv(h, edge_index, W2, b2))
    logits = h @ Wl + bl
    out = jax.nn.log_softmax(logits, axis=1)
    return (out, edge_index)

if __name__ == "__main__":
    import jax
    _d = setup_inputs()
    print(jax.jit(kernel)(*tuple(_d.values())))

</pallas_src>

<mosaic_0001>
#map = affine_map<(d0, d1) -> (0, 0)>
module attributes {stable_mosaic.version = 14 : i64} {
  func.func @deg_kernel(%arg0: i32, %arg1: i32, %arg2: memref<2560x128xi32, #tpu.memory_space<hbm>>, %arg3: memref<20224x16xf32, #tpu.memory_space<hbm>>, %arg4: memref<80x128xi32, #tpu.memory_space<vmem>>, %arg5: memref<128x16xf32, #tpu.memory_space<vmem>>, %arg6: memref<128x16xf32, #tpu.memory_space<vmem>>, %arg7: memref<10112x16xf32, #tpu.memory_space<vmem_shared>>) attributes {dimension_semantics = [#tpu.dimension_semantics<core_parallel>, #tpu.dimension_semantics<subcore_parallel>], iteration_bounds = array<i64: 2, 16>, scalar_prefetch = 0 : i64, scratch_operands = 4 : i64, tpu.core_type = #tpu.core_type<sc_vector_subcore>, window_params = [{transform_indices = #map}, {transform_indices = #map}]} {
    %mul3A = arith.constant 16 : i32
    %mul3A_0 = arith.muli %arg0, %mul3A : i32
    %add3A = arith.addi %mul3A_0, %arg1 : i32
    %scan3A = arith.constant 0 : i32
    %scan3A_1 = arith.constant 0 : i32
    %scan3A_2 = arith.constant 128 : i32
    %scan3A_3 = arith.addi %scan3A_1, %scan3A_2 : i32
    %scan3A_4 = arith.constant 1 : i32
    scf.for %scan3A_28 = %scan3A_1 to %scan3A_3 step %scan3A_4  : i32 {
      %broadcast_in_dim3A = arith.constant 0.000000e+00 : f32
      %broadcast_in_dim3A_29 = vector.broadcast %broadcast_in_dim3A : f32 to vector<16xf32>
      %swap3A = arith.index_cast %scan3A_28 : i32 to index
      %swap3A_30 = arith.constant 0 : index
      %swap3A_31 = tpu.vector_load %arg5[%swap3A, %swap3A_30] {strides = array<i32>} : memref<128x16xf32, #tpu.memory_space<vmem>>, vector<1x16xf32>,
      %swap3A_32 = vector.shape_cast %swap3A_31 : vector<1x16xf32> to vector<16xf32>
      %swap3A_33 = vector.shape_cast %broadcast_in_dim3A_29 : vector<16xf32> to vector<1x16xf32>
      tpu.vector_store %arg5[%swap3A, %swap3A_30], %swap3A_33 {strides = array<i32>} : memref<128x16xf32, #tpu.memory_space<vmem>>, vector<1x16xf32>,
      %broadcast_in_dim3A_34 = arith.constant 1.000000e+00 : f32
      %broadcast_in_dim3A_35 = vector.broadcast %broadcast_in_dim3A_34 : f32 to vector<16xf32>
      %swap3A_36 = arith.index_cast %scan3A_28 : i32 to index
      %swap3A_37 = arith.constant 0 : index
      %swap3A_38 = tpu.vector_load %arg6[%swap3A_36, %swap3A_37] {strides = array<i32>} : memref<128x16xf32, #tpu.memory_space<vmem>>, vector<1x16xf32>,
      %swap3A_39 = vector.shape_cast %swap3A_38 : vector<1x16xf32> to vector<16xf32>
      %swap3A_40 = vector.shape_cast %broadcast_in_dim3A_35 : vector<16xf32> to vector<1x16xf32>
      tpu.vector_store %arg6[%swap3A_36, %swap3A_37], %swap3A_40 {strides = array<i32>} : memref<128x16xf32, #tpu.memory_space<vmem>>, vector<1x16xf32>,
    }
    %scan3A_5 = arith.constant 128 : i32
    %mul3A_6 = arith.constant 80 : i32
    %mul3A_7 = arith.muli %add3A, %mul3A_6 : i32
    "tpu.region"() ({
      %run_scoped3A = tpu.sem_alloc : memref<!tpu.dma_semaphore, #tpu.memory_space<semaphore_mem>>
      %dma_start3A = arith.constant 0 : i32
      %dma_start3A_28 = tpu.memref_slice %arg2[%mul3A_7, %dma_start3A] : memref<2560x128xi32, #tpu.memory_space<hbm>> -> memref<80x128xi32, #tpu.memory_space<hbm>>
      %dma_start3A_29 = arith.constant 0 : i32
      %dma_start3A_30 = tpu.memref_slice %arg2[%mul3A_7, %dma_start3A_29] : memref<2560x128xi32, #tpu.memory_space<hbm>> -> memref<80x128xi32, #tpu.memory_space<hbm>>
      tpu.enqueue_dma source(%dma_start3A_30 : memref<80x128xi32, #tpu.memory_space<hbm>>) target(%arg4 : memref<80x128xi32, #tpu.memory_space<vmem>>) target_semaphore(%run_scoped3A : memref<!tpu.dma_semaphore, #tpu.memory_space<semaphore_mem>>)
      %dma_wait3A = arith.constant 0 : i32
      %dma_wait3A_31 = tpu.memref_slice %arg2[%mul3A_7, %dma_wait3A] : memref<2560x128xi32, #tpu.memory_space<hbm>> -> memref<80x128xi32, #tpu.memory_space<hbm>>
      %dma_wait3A_32 = arith.constant 0 : i32
      %dma_wait3A_33 = tpu.memref_slice %arg2[%mul3A_7, %dma_wait3A_32] : memref<2560x128xi32, #tpu.memory_space<hbm>> -> memref<80x128xi32, #tpu.memory_space<hbm>>
      tpu.wait_dma2 semaphore(%run_scoped3A : memref<!tpu.dma_semaphore, #tpu.memory_space<semaphore_mem>>) src(%dma_wait3A_33 : memref<80x128xi32, #tpu.memory_space<hbm>>) dst(%arg4 : memref<80x128xi32, #tpu.memory_space<vmem>>)
      tpu.yield
    }) : () -> ()
    %scan3A_8 = arith.constant 0 : i32
    %scan3A_9 = arith.constant 0 : i32
    %scan3A_10 = arith.constant 5 : i32
    %scan3A_11 = arith.addi %scan3A_9, %scan3A_10 : i32
    %scan3A_12 = arith.constant 1 : i32
    scf.for %scan3A_28 = %scan3A_9 to %scan3A_11 step %scan3A_12  : i32 {
      %mul3A_29 = arith.constant 5 : i32
      %mul3A_30 = arith.muli %arg1, %mul3A_29 : i32
      %add3A_31 = arith.addi %mul3A_30, %scan3A_28 : i32
      %lt3A = arith.constant 79 : i32
      %lt3A_32 = arith.cmpi slt, %add3A_31, %lt3A : i32
      %convert_element_type3A = arith.extui %lt3A_32 : i1 to i32
      %cond3A = arith.constant 0 : i32
      %cond3A_33 = arith.cmpi ne, %convert_element_type3A, %cond3A : i32
      scf.if %cond3A_33 {
        %mul3A_34 = arith.constant 128 : i32
        %mul3A_35 = arith.muli %add3A_31, %mul3A_34 : i32
        "tpu.region"() ({
          %run_scoped3A = tpu.sem_alloc : memref<!tpu.dma_semaphore, #tpu.memory_space<semaphore_mem>>
          %dma_start3A = arith.constant 0 : i32
          %dma_start3A_36 = tpu.memref_slice %arg7[%mul3A_35, %dma_start3A] : memref<10112x16xf32, #tpu.memory_space<vmem_shared>> -> memref<128x16xf32, #tpu.memory_space<vmem_shared>>
          %dma_start3A_37 = arith.constant 0 : i32
          %dma_start3A_38 = tpu.memref_slice %arg7[%mul3A_35, %dma_start3A_37] : memref<10112x16xf32, #tpu.memory_space<vmem_shared>> -> memref<128x16xf32, #tpu.memory_space<vmem_shared>>
          tpu.enqueue_dma source(%arg5 : memref<128x16xf32, #tpu.memory_space<vmem>>) target(%dma_start3A_38 : memref<128x16xf32, #tpu.memory_space<vmem_shared>>) target_semaphore(%run_scoped3A : memref<!tpu.dma_semaphore, #tpu.memory_space<semaphore_mem>>)
          %dma_wait3A = arith.constant 0 : i32
          %dma_wait3A_39 = tpu.memref_slice %arg7[%mul3A_35, %dma_wait3A] : memref<10112x16xf32, #tpu.memory_space<vmem_shared>> -> memref<128x16xf32, #tpu.memory_space<vmem_shared>>
          %dma_wait3A_40 = arith.constant 0 : i32
          %dma_wait3A_41 = tpu.memref_slice %arg7[%mul3A_35, %dma_wait3A_40] : memref<10112x16xf32, #tpu.memory_space<vmem_shared>> -> memref<128x16xf32, #tpu.memory_space<vmem_shared>>
          tpu.wait_dma2 semaphore(%run_scoped3A : memref<!tpu.dma_semaphore, #tpu.memory_space<semaphore_mem>>) src(%arg5 : memref<128x16xf32, #tpu.memory_space<vmem>>) dst(%dma_wait3A_41 : memref<128x16xf32, #tpu.memory_space<vmem_shared>>)
          tpu.yield
        }) : () -> ()
      } else {
      }
    }
    %scan3A_13 = arith.constant 5 : i32
    %barrier3A = arith.constant 0 : index
    tpu.barrier barrier_id(%barrier3A)
    %scan3A_14 = arith.constant 0 : i32
    %scan3A_15 = arith.constant 0 : i32
    %scan3A_16 = arith.constant 80 : i32
    %scan3A_17 = arith.addi %scan3A_15, %scan3A_16 : i32
    %scan3A_18 = arith.constant 1 : i32
    scf.for %scan3A_28 = %scan3A_15 to %scan3A_17 step %scan3A_18  : i32 {
      "tpu.region"() ({
        %run_scoped3A = tpu.sem_alloc : memref<!tpu.dma_semaphore, #tpu.memory_space<semaphore_mem>>
        %dma_start3A = arith.constant 0 : i32
        %dma_start3A_29 = tpu.memref_slice %arg4[%scan3A_28, %dma_start3A] : memref<80x128xi32, #tpu.memory_space<vmem>> -> memref<1x128xi32, #tpu.memory_space<vmem>>
        %dma_start3A_30 = tpu.memref_squeeze %dma_start3A_29 : memref<1x128xi32, #tpu.memory_space<vmem>> -> memref<128xi32, #tpu.memory_space<vmem>>
        %dma_start3A_31 = arith.constant 0 : i32
        %dma_start3A_32 = arith.constant 0 : i32
        %dma_start3A_33 = tpu.memref_slice %arg7[%dma_start3A_31, %dma_start3A_32] : memref<10112x16xf32, #tpu.memory_space<vmem_shared>> -> memref<10112x16xf32, #tpu.memory_space<vmem_shared>>
        tpu.enqueue_indirect_dma source(%arg6 : memref<128x16xf32, #tpu.memory_space<vmem>>) target(%dma_start3A_33 : memref<10112x16xf32, #tpu.memory_space<vmem_shared>>) offsets(%dma_start3A_30 : memref<128xi32, #tpu.memory_space<vmem>>) semaphore(%run_scoped3A : memref<!tpu.dma_semaphore, #tpu.memory_space<semaphore_mem>>) {add = true}
        %dma_wait3A = arith.constant 0 : i32
        %dma_wait3A_34 = tpu.memref_slice %arg4[%scan3A_28, %dma_wait3A] : memref<80x128xi32, #tpu.memory_space<vmem>> -> memref<1x128xi32, #tpu.memory_space<vmem>>
        %dma_wait3A_35 = tpu.memref_squeeze %dma_wait3A_34 : memref<1x128xi32, #tpu.memory_space<vmem>> -> memref<128xi32, #tpu.memory_space<vmem>>
        %dma_wait3A_36 = arith.constant 0 : i32
        %dma_wait3A_37 = arith.constant 0 : i32
        %dma_wait3A_38 = tpu.memref_slice %arg7[%dma_wait3A_36, %dma_wait3A_37] : memref<10112x16xf32, #tpu.memory_space<vmem_shared>> -> memref<10112x16xf32, #tpu.memory_space<vmem_shared>>
        tpu.wait_indirect_dma semaphore(%run_scoped3A : memref<!tpu.dma_semaphore, #tpu.memory_space<semaphore_mem>>) src(%arg6 : memref<128x16xf32, #tpu.memory_space<vmem>>) dst(%dma_wait3A_38 : memref<10112x16xf32, #tpu.memory_space<vmem_shared>>)
        tpu.yield
      }) : () -> ()
    }
    %scan3A_19 = arith.constant 80 : i32
    %barrier3A_20 = arith.constant 0 : index
    tpu.barrier barrier_id(%barrier3A_20)
    %mul3A_21 = arith.constant 632 : i32
    %mul3A_22 = arith.muli %arg1, %mul3A_21 : i32
    %mul3A_23 = arith.constant 10112 : i32
    %mul3A_24 = arith.muli %arg0, %mul3A_23 : i32
    %mul3A_25 = arith.constant 632 : i32
    %mul3A_26 = arith.muli %arg1, %mul3A_25 : i32
    %add3A_27 = arith.addi %mul3A_24, %mul3A_26 : i32
    "tpu.region"() ({
      %run_scoped3A = tpu.sem_alloc : memref<!tpu.dma_semaphore, #tpu.memory_space<semaphore_mem>>
      %dma_start3A = arith.constant 0 : i32
      %dma_start3A_28 = tpu.memref_slice %arg3[%add3A_27, %dma_start3A] : memref<20224x16xf32, #tpu.memory_space<hbm>> -> memref<632x16xf32, #tpu.memory_space<hbm>>
      %dma_start3A_29 = arith.constant 0 : i32
      %dma_start3A_30 = tpu.memref_slice %arg7[%mul3A_22, %dma_start3A_29] : memref<10112x16xf32, #tpu.memory_space<vmem_shared>> -> memref<632x16xf32, #tpu.memory_space<vmem_shared>>
      tpu.enqueue_dma source(%dma_start3A_30 : memref<632x16xf32, #tpu.memory_space<vmem_shared>>) target(%dma_start3A_28 : memref<632x16xf32, #tpu.memory_space<hbm>>) target_semaphore(%run_scoped3A : memref<!tpu.dma_semaphore, #tpu.memory_space<semaphore_mem>>)
      %dma_wait3A = arith.constant 0 : i32
      %dma_wait3A_31 = tpu.memref_slice %arg3[%add3A_27, %dma_wait3A] : memref<20224x16xf32, #tpu.memory_space<hbm>> -> memref<632x16xf32, #tpu.memory_space<hbm>>
      %dma_wait3A_32 = arith.constant 0 : i32
      %dma_wait3A_33 = tpu.memref_slice %arg7[%mul3A_22, %dma_wait3A_32] : memref<10112x16xf32, #tpu.memory_space<vmem_shared>> -> memref<632x16xf32, #tpu.memory_space<vmem_shared>>
      tpu.wait_dma2 semaphore(%run_scoped3A : memref<!tpu.dma_semaphore, #tpu.memory_space<semaphore_mem>>) src(%dma_wait3A_33 : memref<632x16xf32, #tpu.memory_space<vmem_shared>>) dst(%dma_wait3A_31 : memref<632x16xf32, #tpu.memory_space<hbm>>)
      tpu.yield
    }) : () -> ()
    return
  }
}

#map = affine_map<(d0, d1) -> (0, 0)>
module attributes {stable_mosaic.version = 14 : i64} {
  func.func @agg_kernel(%arg0: i32, %arg1: i32, %arg2: memref<20480x128xf32, #tpu.memory_space<hbm>>, %arg3: memref<5120x128xi32, #tpu.memory_space<hbm>>, %arg4: memref<5120x128xi32, #tpu.memory_space<hbm>>, %arg5: memref<20480x128xf32, #tpu.memory_space<hbm>>, %arg6: memref<160x128xi32, #tpu.memory_space<vmem>>, %arg7: memref<160x128xi32, #tpu.memory_space<vmem>>, %arg8: memref<128x128xf32, #tpu.memory_space<vmem>>, %arg9: memref<128x128xf32, #tpu.memory_space<vmem>>, %arg10: memref<!tpu.dma_semaphore, #tpu.memory_space<semaphore_mem>>, %arg11: memref<!tpu.dma_semaphore, #tpu.memory_space<semaphore_mem>>, %arg12: memref<!tpu.dma_semaphore, #tpu.memory_space<semaphore_mem>>, %arg13: memref<!tpu.dma_semaphore, #tpu.memory_space<semaphore_mem>>, %arg14: memref<5184x128xf32, #tpu.memory_space<vmem_shared>>) attributes {dimension_semantics = [#tpu.dimension_semantics<core_parallel>, #tpu.dimension_semantics<subcore_parallel>], iteration_bounds = array<i64: 2, 16>, scalar_prefetch = 0 : i64, scratch_operands = 9 : i64, tpu.core_type = #tpu.core_type<sc_vector_subcore>, window_params = [{transform_indices = #map}, {transform_indices = #map}, {transform_indices = #map}, {transform_indices = #map}]} {
    %mul3A = arith.constant 2560 : i32
    %mul3A_0 = arith.muli %arg0, %mul3A : i32
    %mul3A_1 = arith.constant 160 : i32
    %mul3A_2 = arith.muli %arg1, %mul3A_1 : i32
    %add3A = arith.addi %mul3A_0, %mul3A_2 : i32
    "tpu.region"() ({
      %run_scoped3A = tpu.sem_alloc : memref<!tpu.dma_semaphore, #tpu.memory_space<semaphore_mem>>
      %dma_start3A = arith.constant 0 : i32
      %dma_start3A_63 = tpu.memref_slice %arg3[%add3A, %dma_start3A] : memref<5120x128xi32, #tpu.memory_space<hbm>> -> memref<160x128xi32, #tpu.memory_space<hbm>>
      %dma_start3A_64 = arith.constant 0 : i32
      %dma_start3A_65 = tpu.memref_slice %arg3[%add3A, %dma_start3A_64] : memref<5120x128xi32, #tpu.memory_space<hbm>> -> memref<160x128xi32, #tpu.memory_space<hbm>>
      tpu.enqueue_dma source(%dma_start3A_65 : memref<160x128xi32, #tpu.memory_space<hbm>>) target(%arg6 : memref<160x128xi32, #tpu.memory_space<vmem>>) target_semaphore(%run_scoped3A : memref<!tpu.dma_semaphore, #tpu.memory_space<semaphore_mem>>)
      %dma_wait3A = arith.constant 0 : i32
      %dma_wait3A_66 = tpu.memref_slice %arg3[%add3A, %dma_wait3A] : memref<5120x128xi32, #tpu.memory_space<hbm>> -> memref<160x128xi32, #tpu.memory_space<hbm>>
      %dma_wait3A_67 = arith.constant 0 : i32
      %dma_wait3A_68 = tpu.memref_slice %arg3[%add3A, %dma_wait3A_67] : memref<5120x128xi32, #tpu.memory_space<hbm>> -> memref<160x128xi32, #tpu.memory_space<hbm>>
      tpu.wait_dma2 semaphore(%run_scoped3A : memref<!tpu.dma_semaphore, #tpu.memory_space<semaphore_mem>>) src(%dma_wait3A_68 : memref<160x128xi32, #tpu.memory_space<hbm>>) dst(%arg6 : memref<160x128xi32, #tpu.memory_space<vmem>>)
      tpu.yield
    }) : () -> ()
    %mul3A_3 = arith.constant 160 : i32
    %mul3A_4 = arith.muli %arg1, %mul3A_3 : i32
    %add3A_5 = arith.constant 0 : i32
    %add3A_6 = arith.addi %add3A_5, %mul3A_4 : i32
    "tpu.region"() ({
      %run_scoped3A = tpu.sem_alloc : memref<!tpu.dma_semaphore, #tpu.memory_space<semaphore_mem>>
      %dma_start3A = arith.constant 0 : i32
      %dma_start3A_63 = tpu.memref_slice %arg4[%add3A_6, %dma_start3A] : memref<5120x128xi32, #tpu.memory_space<hbm>> -> memref<160x128xi32, #tpu.memory_space<hbm>>
      %dma_start3A_64 = arith.constant 0 : i32
      %dma_start3A_65 = tpu.memref_slice %arg4[%add3A_6, %dma_start3A_64] : memref<5120x128xi32, #tpu.memory_space<hbm>> -> memref<160x128xi32, #tpu.memory_space<hbm>>
      tpu.enqueue_dma source(%dma_start3A_65 : memref<160x128xi32, #tpu.memory_space<hbm>>) target(%arg7 : memref<160x128xi32, #tpu.memory_space<vmem>>) target_semaphore(%run_scoped3A : memref<!tpu.dma_semaphore, #tpu.memory_space<semaphore_mem>>)
      %dma_wait3A = arith.constant 0 : i32
      %dma_wait3A_66 = tpu.memref_slice %arg4[%add3A_6, %dma_wait3A] : memref<5120x128xi32, #tpu.memory_space<hbm>> -> memref<160x128xi32, #tpu.memory_space<hbm>>
      %dma_wait3A_67 = arith.constant 0 : i32
      %dma_wait3A_68 = tpu.memref_slice %arg4[%add3A_6, %dma_wait3A_67] : memref<5120x128xi32, #tpu.memory_space<hbm>> -> memref<160x128xi32, #tpu.memory_space<hbm>>
      tpu.wait_dma2 semaphore(%run_scoped3A : memref<!tpu.dma_semaphore, #tpu.memory_space<semaphore_mem>>) src(%dma_wait3A_68 : memref<160x128xi32, #tpu.memory_space<hbm>>) dst(%arg7 : memref<160x128xi32, #tpu.memory_space<vmem>>)
      tpu.yield
    }) : () -> ()
    %mul3A_7 = arith.constant 10240 : i32
    %mul3A_8 = arith.muli %arg0, %mul3A_7 : i32
    %add3A_9 = arith.constant 0 : i32
    %add3A_10 = arith.addi %mul3A_8, %add3A_9 : i32
    %mul3A_11 = arith.constant 320 : i32
    %mul3A_12 = arith.muli %arg1, %mul3A_11 : i32
    %add3A_13 = arith.addi %add3A_10, %mul3A_12 : i32
    %mul3A_14 = arith.constant 320 : i32
    %mul3A_15 = arith.muli %arg1, %mul3A_14 : i32
    "tpu.region"() ({
      %run_scoped3A = tpu.sem_alloc : memref<!tpu.dma_semaphore, #tpu.memory_space<semaphore_mem>>
      %dma_start3A = arith.constant 0 : i32
      %dma_start3A_63 = tpu.memref_slice %arg14[%mul3A_15, %dma_start3A] : memref<5184x128xf32, #tpu.memory_space<vmem_shared>> -> memref<320x128xf32, #tpu.memory_space<vmem_shared>>
      %dma_start3A_64 = arith.constant 0 : i32
      %dma_start3A_65 = tpu.memref_slice %arg2[%add3A_13, %dma_start3A_64] : memref<20480x128xf32, #tpu.memory_space<hbm>> -> memref<320x128xf32, #tpu.memory_space<hbm>>
      tpu.enqueue_dma source(%dma_start3A_65 : memref<320x128xf32, #tpu.memory_space<hbm>>) target(%dma_start3A_63 : memref<320x128xf32, #tpu.memory_space<vmem_shared>>) target_semaphore(%run_scoped3A : memref<!tpu.dma_semaphore, #tpu.memory_space<semaphore_mem>>)
      %dma_wait3A = arith.constant 0 : i32
      %dma_wait3A_66 = tpu.memref_slice %arg14[%mul3A_15, %dma_wait3A] : memref<5184x128xf32, #tpu.memory_space<vmem_shared>> -> memref<320x128xf32, #tpu.memory_space<vmem_shared>>
      %dma_wait3A_67 = arith.constant 0 : i32
      %dma_wait3A_68 = tpu.memref_slice %arg2[%add3A_13, %dma_wait3A_67] : memref<20480x128xf32, #tpu.memory_space<hbm>> -> memref<320x128xf32, #tpu.memory_space<hbm>>
      tpu.wait_dma2 semaphore(%run_scoped3A : memref<!tpu.dma_semaphore, #tpu.memory_space<semaphore_mem>>) src(%dma_wait3A_68 : memref<320x128xf32, #tpu.memory_space<hbm>>) dst(%dma_wait3A_66 : memref<320x128xf32, #tpu.memory_space<vmem_shared>>)
      tpu.yield
    }) : () -> ()
    %barrier3A = arith.constant 0 : index
    tpu.barrier barrier_id(%barrier3A)
    %scan3A = arith.constant 0 : i32
    %scan3A_16 = arith.constant 0 : i32
    %scan3A_17 = arith.constant 80 : i32
    %scan3A_18 = arith.addi %scan3A_16, %scan3A_17 : i32
    %scan3A_19 = arith.constant 1 : i32
    scf.for %scan3A_63 = %scan3A_16 to %scan3A_18 step %scan3A_19  : i32 {
      %mul3A_64 = arith.constant 2 : i32
      %mul3A_65 = arith.muli %scan3A_63, %mul3A_64 : i32
      %add3A_66 = arith.constant 0 : i32
      %add3A_67 = arith.addi %mul3A_65, %add3A_66 : i32
      %dma_start3A = arith.constant 0 : i32
      %dma_start3A_68 = tpu.memref_slice %arg6[%add3A_67, %dma_start3A] : memref<160x128xi32, #tpu.memory_space<vmem>> -> memref<1x128xi32, #tpu.memory_space<vmem>>
      %dma_start3A_69 = tpu.memref_squeeze %dma_start3A_68 : memref<1x128xi32, #tpu.memory_space<vmem>> -> memref<128xi32, #tpu.memory_space<vmem>>
      %dma_start3A_70 = arith.constant 0 : i32
      %dma_start3A_71 = arith.constant 0 : i32
      %dma_start3A_72 = tpu.memref_slice %arg2[%dma_start3A_70, %dma_start3A_71] : memref<20480x128xf32, #tpu.memory_space<hbm>> -> memref<20480x128xf32, #tpu.memory_space<hbm>>
      tpu.enqueue_indirect_dma source(%dma_start3A_72 : memref<20480x128xf32, #tpu.memory_space<hbm>>) target(%arg8 : memref<128x128xf32, #tpu.memory_space<vmem>>) offsets(%dma_start3A_69 : memref<128xi32, #tpu.memory_space<vmem>>) semaphore(%arg10 : memref<!tpu.dma_semaphore, #tpu.memory_space<semaphore_mem>>)
      %add3A_73 = arith.constant 1 : i32
      %add3A_74 = arith.addi %mul3A_65, %add3A_73 : i32
      %dma_start3A_75 = arith.constant 0 : i32
      %dma_start3A_76 = tpu.memref_slice %arg6[%add3A_74, %dma_start3A_75] : memref<160x128xi32, #tpu.memory_space<vmem>> -> memref<1x128xi32, #tpu.memory_space<vmem>>
      %dma_start3A_77 = tpu.memref_squeeze %dma_start3A_76 : memref<1x128xi32, #tpu.memory_space<vmem>> -> memref<128xi32, #tpu.memory_space<vmem>>
      %dma_start3A_78 = arith.constant 0 : i32
      %dma_start3A_79 = arith.constant 0 : i32
      %dma_start3A_80 = tpu.memref_slice %arg2[%dma_start3A_78, %dma_start3A_79] : memref<20480x128xf32, #tpu.memory_space<hbm>> -> memref<20480x128xf32, #tpu.memory_space<hbm>>
      tpu.enqueue_indirect_dma source(%dma_start3A_80 : memref<20480x128xf32, #tpu.memory_space<hbm>>) target(%arg9 : memref<128x128xf32, #tpu.memory_space<vmem>>) offsets(%dma_start3A_77 : memref<128xi32, #tpu.memory_space<vmem>>) semaphore(%arg11 : memref<!tpu.dma_semaphore, #tpu.memory_space<semaphore_mem>>)
      %add3A_81 = arith.constant 0 : i32
      %add3A_82 = arith.addi %mul3A_65, %add3A_81 : i32
      %dma_wait3A = arith.constant 0 : i32
      %dma_wait3A_83 = tpu.memref_slice %arg6[%add3A_82, %dma_wait3A] : memref<160x128xi32, #tpu.memory_space<vmem>> -> memref<1x128xi32, #tpu.memory_space<vmem>>
      %dma_wait3A_84 = tpu.memref_squeeze %dma_wait3A_83 : memref<1x128xi32, #tpu.memory_space<vmem>> -> memref<128xi32, #tpu.memory_space<vmem>>
      %dma_wait3A_85 = arith.constant 0 : i32
      %dma_wait3A_86 = arith.constant 0 : i32
      %dma_wait3A_87 = tpu.memref_slice %arg2[%dma_wait3A_85, %dma_wait3A_86] : memref<20480x128xf32, #tpu.memory_space<hbm>> -> memref<20480x128xf32, #tpu.memory_space<hbm>>
      tpu.wait_indirect_dma semaphore(%arg10 : memref<!tpu.dma_semaphore, #tpu.memory_space<semaphore_mem>>) src(%dma_wait3A_87 : memref<20480x128xf32, #tpu.memory_space<hbm>>) dst(%arg8 : memref<128x128xf32, #tpu.memory_space<vmem>>)
      %add3A_88 = arith.constant 0 : i32
      %add3A_89 = arith.addi %mul3A_65, %add3A_88 : i32
      %dma_start3A_90 = arith.constant 0 : i32
      %dma_start3A_91 = tpu.memref_slice %arg7[%add3A_89, %dma_start3A_90] : memref<160x128xi32, #tpu.memory_space<vmem>> -> memref<1x128xi32, #tpu.memory_space<vmem>>
      %dma_start3A_92 = tpu.memref_squeeze %dma_start3A_91 : memref<1x128xi32, #tpu.memory_space<vmem>> -> memref<128xi32, #tpu.memory_space<vmem>>
      %dma_start3A_93 = arith.constant 0 : i32
      %dma_start3A_94 = arith.constant 0 : i32
      %dma_start3A_95 = tpu.memref_slice %arg14[%dma_start3A_93, %dma_start3A_94] : memref<5184x128xf32, #tpu.memory_space<vmem_shared>> -> memref<5184x128xf32, #tpu.memory_space<vmem_shared>>
      tpu.enqueue_indirect_dma source(%arg8 : memref<128x128xf32, #tpu.memory_space<vmem>>) target(%dma_start3A_95 : memref<5184x128xf32, #tpu.memory_space<vmem_shared>>) offsets(%dma_start3A_92 : memref<128xi32, #tpu.memory_space<vmem>>) semaphore(%arg12 : memref<!tpu.dma_semaphore, #tpu.memory_space<semaphore_mem>>) {add = true}
      %add3A_96 = arith.constant 1 : i32
      %add3A_97 = arith.addi %mul3A_65, %add3A_96 : i32
      %dma_wait3A_98 = arith.constant 0 : i32
      %dma_wait3A_99 = tpu.memref_slice %arg6[%add3A_97, %dma_wait3A_98] : memref<160x128xi32, #tpu.memory_space<vmem>> -> memref<1x128xi32, #tpu.memory_space<vmem>>
      %dma_wait3A_100 = tpu.memref_squeeze %dma_wait3A_99 : memref<1x128xi32, #tpu.memory_space<vmem>> -> memref<128xi32, #tpu.memory_space<vmem>>
      %dma_wait3A_101 = arith.constant 0 : i32
      %dma_wait3A_102 = arith.constant 0 : i32
      %dma_wait3A_103 = tpu.memref_slice %arg2[%dma_wait3A_101, %dma_wait3A_102] : memref<20480x128xf32, #tpu.memory_space<hbm>> -> memref<20480x128xf32, #tpu.memory_space<hbm>>
      tpu.wait_indirect_dma semaphore(%arg11 : memref<!tpu.dma_semaphore, #tpu.memory_space<semaphore_mem>>) src(%dma_wait3A_103 : memref<20480x128xf32, #tpu.memory_space<hbm>>) dst(%arg9 : memref<128x128xf32, #tpu.memory_space<vmem>>)
      %add3A_104 = arith.constant 1 : i32
      %add3A_105 = arith.addi %mul3A_65, %add3A_104 : i32
      %dma_start3A_106 = arith.constant 0 : i32
      %dma_start3A_107 = tpu.memref_slice %arg7[%add3A_105, %dma_start3A_106] : memref<160x128xi32, #tpu.memory_space<vmem>> -> memref<1x128xi32, #tpu.memory_space<vmem>>
      %dma_start3A_108 = tpu.memref_squeeze %dma_start3A_107 : memref<1x128xi32, #tpu.memory_space<vmem>> -> memref<128xi32, #tpu.memory_space<vmem>>
      %dma_start3A_109 = arith.constant 0 : i32
      %dma_start3A_110 = arith.constant 0 : i32
      %dma_start3A_111 = tpu.memref_slice %arg14[%dma_start3A_109, %dma_start3A_110] : memref<5184x128xf32, #tpu.memory_space<vmem_shared>> -> memref<5184x128xf32, #tpu.memory_space<vmem_shared>>
      tpu.enqueue_indirect_dma source(%arg9 : memref<128x128xf32, #tpu.memory_space<vmem>>) target(%dma_start3A_111 : memref<5184x128xf32, #tpu.memory_space<vmem_shared>>) offsets(%dma_start3A_108 : memref<128xi32, #tpu.memory_space<vmem>>) semaphore(%arg13 : memref<!tpu.dma_semaphore, #tpu.memory_space<semaphore_mem>>) {add = true}
      %add3A_112 = arith.constant 0 : i32
      %add3A_113 = arith.addi %mul3A_65, %add3A_112 : i32
      %dma_wait3A_114 = arith.constant 0 : i32
      %dma_wait3A_115 = tpu.memref_slice %arg7[%add3A_113, %dma_wait3A_114] : memref<160x128xi32, #tpu.memory_space<vmem>> -> memref<1x128xi32, #tpu.memory_space<vmem>>
      %dma_wait3A_116 = tpu.memref_squeeze %dma_wait3A_115 : memref<1x128xi32, #tpu.memory_space<vmem>> -> memref<128xi32, #tpu.memory_space<vmem>>
      %dma_wait3A_117 = arith.constant 0 : i32
      %dma_wait3A_118 = arith.constant 0 : i32
      %dma_wait3A_119 = tpu.memref_slice %arg14[%dma_wait3A_117, %dma_wait3A_118] : memref<5184x128xf32, #tpu.memory_space<vmem_shared>> -> memref<5184x128xf32, #tpu.memory_space<vmem_shared>>
      tpu.wait_indirect_dma semaphore(%arg12 : memref<!tpu.dma_semaphore, #tpu.memory_space<semaphore_mem>>) src(%arg8 : memref<128x128xf32, #tpu.memory_space<vmem>>) dst(%dma_wait3A_119 : memref<5184x128xf32, #tpu.memory_space<vmem_shared>>)
      %add3A_120 = arith.constant 1 : i32
      %add3A_121 = arith.addi %mul3A_65, %add3A_120 : i32
      %dma_wait3A_122 = arith.constant 0 : i32
      %dma_wait3A_123 = tpu.memref_slice %arg7[%add3A_121, %dma_wait3A_122] : memref<160x128xi32, #tpu.memory_space<vmem>> -> memref<1x128xi32, #tpu.memory_space<vmem>>
      %dma_wait3A_124 = tpu.memref_squeeze %dma_wait3A_123 : memref<1x128xi32, #tpu.memory_space<vmem>> -> memref<128xi32, #tpu.memory_space<vmem>>
      %dma_wait3A_125 = arith.constant 0 : i32
      %dma_wait3A_126 = arith.constant 0 : i32
      %dma_wait3A_127 = tpu.memref_slice %arg14[%dma_wait3A_125, %dma_wait3A_126] : memref<5184x128xf32, #tpu.memory_space<vmem_shared>> -> memref<5184x128xf32, #tpu.memory_space<vmem_shared>>
      tpu.wait_indirect_dma semaphore(%arg13 : memref<!tpu.dma_semaphore, #tpu.memory_space<semaphore_mem>>) src(%arg9 : memref<128x128xf32, #tpu.memory_space<vmem>>) dst(%dma_wait3A_127 : memref<5184x128xf32, #tpu.memory_space<vmem_shared>>)
    }
    %scan3A_20 = arith.constant 80 : i32
    %barrier3A_21 = arith.constant 0 : index
    tpu.barrier barrier_id(%barrier3A_21)
    %mul3A_22 = arith.constant 320 : i32
    %mul3A_23 = arith.muli %arg1, %mul3A_22 : i32
    %mul3A_24 = arith.constant 10240 : i32
    %mul3A_25 = arith.muli %arg0, %mul3A_24 : i32
    %add3A_26 = arith.constant 0 : i32
    %add3A_27 = arith.addi %mul3A_25, %add3A_26 : i32
    %mul3A_28 = arith.constant 320 : i32
    %mul3A_29 = arith.muli %arg1, %mul3A_28 : i32
    %add3A_30 = arith.addi %add3A_27, %mul3A_29 : i32
    "tpu.region"() ({
      %run_scoped3A = tpu.sem_alloc : memref<!tpu.dma_semaphore, #tpu.memory_space<semaphore_mem>>
      %dma_start3A = arith.constant 0 : i32
      %dma_start3A_63 = tpu.memref_slice %arg5[%add3A_30, %dma_start3A] : memref<20480x128xf32, #tpu.memory_space<hbm>> -> memref<320x128xf32, #tpu.memory_space<hbm>>
      %dma_start3A_64 = arith.constant 0 : i32
      %dma_start3A_65 = tpu.memref_slice %arg14[%mul3A_23, %dma_start3A_64] : memref<5184x128xf32, #tpu.memory_space<vmem_shared>> -> memref<320x128xf32, #tpu.memory_space<vmem_shared>>
      tpu.enqueue_dma source(%dma_start3A_65 : memref<320x128xf32, #tpu.memory_space<vmem_shared>>) target(%dma_start3A_63 : memref<320x128xf32, #tpu.memory_space<hbm>>) target_semaphore(%run_scoped3A : memref<!tpu.dma_semaphore, #tpu.memory_space<semaphore_mem>>)
      %dma_wait3A = arith.constant 0 : i32
      %dma_wait3A_66 = tpu.memref_slice %arg5[%add3A_30, %dma_wait3A] : memref<20480x128xf32, #tpu.memory_space<hbm>> -> memref<320x128xf32, #tpu.memory_space<hbm>>
      %dma_wait3A_67 = arith.constant 0 : i32
      %dma_wait3A_68 = tpu.memref_slice %arg14[%mul3A_23, %dma_wait3A_67] : memref<5184x128xf32, #tpu.memory_space<vmem_shared>> -> memref<320x128xf32, #tpu.memory_space<vmem_shared>>
      tpu.wait_dma2 semaphore(%run_scoped3A : memref<!tpu.dma_semaphore, #tpu.memory_space<semaphore_mem>>) src(%dma_wait3A_68 : memref<320x128xf32, #tpu.memory_space<vmem_shared>>) dst(%dma_wait3A_66 : memref<320x128xf32, #tpu.memory_space<hbm>>)
      tpu.yield
    }) : () -> ()
    %barrier3A_31 = arith.constant 0 : index
    tpu.barrier barrier_id(%barrier3A_31)
    %mul3A_32 = arith.constant 160 : i32
    %mul3A_33 = arith.muli %arg1, %mul3A_32 : i32
    %add3A_34 = arith.constant 2560 : i32
    %add3A_35 = arith.addi %add3A_34, %mul3A_33 : i32
    "tpu.region"() ({
      %run_scoped3A = tpu.sem_alloc : memref<!tpu.dma_semaphore, #tpu.memory_space<semaphore_mem>>
      %dma_start3A = arith.constant 0 : i32
      %dma_start3A_63 = tpu.memref_slice %arg4[%add3A_35, %dma_start3A] : memref<5120x128xi32, #tpu.memory_space<hbm>> -> memref<160x128xi32, #tpu.memory_space<hbm>>
      %dma_start3A_64 = arith.constant 0 : i32
      %dma_start3A_65 = tpu.memref_slice %arg4[%add3A_35, %dma_start3A_64] : memref<5120x128xi32, #tpu.memory_space<hbm>> -> memref<160x128xi32, #tpu.memory_space<hbm>>
      tpu.enqueue_dma source(%dma_start3A_65 : memref<160x128xi32, #tpu.memory_space<hbm>>) target(%arg7 : memref<160x128xi32, #tpu.memory_space<vmem>>) target_semaphore(%run_scoped3A : memref<!tpu.dma_semaphore, #tpu.memory_space<semaphore_mem>>)
      %dma_wait3A = arith.constant 0 : i32
      %dma_wait3A_66 = tpu.memref_slice %arg4[%add3A_35, %dma_wait3A] : memref<5120x128xi32, #tpu.memory_space<hbm>> -> memref<160x128xi32, #tpu.memory_space<hbm>>
      %dma_wait3A_67 = arith.constant 0 : i32
      %dma_wait3A_68 = tpu.memref_slice %arg4[%add3A_35, %dma_wait3A_67] : memref<5120x128xi32, #tpu.memory_space<hbm>> -> memref<160x128xi32, #tpu.memory_space<hbm>>
      tpu.wait_dma2 semaphore(%run_scoped3A : memref<!tpu.dma_semaphore, #tpu.memory_space<semaphore_mem>>) src(%dma_wait3A_68 : memref<160x128xi32, #tpu.memory_space<hbm>>) dst(%arg7 : memref<160x128xi32, #tpu.memory_space<vmem>>)
      tpu.yield
    }) : () -> ()
    %mul3A_36 = arith.constant 10240 : i32
    %mul3A_37 = arith.muli %arg0, %mul3A_36 : i32
    %add3A_38 = arith.constant 5120 : i32
    %add3A_39 = arith.addi %mul3A_37, %add3A_38 : i32
    %mul3A_40 = arith.constant 320 : i32
    %mul3A_41 = arith.muli %arg1, %mul3A_40 : i32
    %add3A_42 = arith.addi %add3A_39, %mul3A_41 : i32
    %mul3A_43 = arith.constant 320 : i32
    %mul3A_44 = arith.muli %arg1, %mul3A_43 : i32
    "tpu.region"() ({
      %run_scoped3A = tpu.sem_alloc : memref<!tpu.dma_semaphore, #tpu.memory_space<semaphore_mem>>
      %dma_start3A = arith.constant 0 : i32
      %dma_start3A_63 = tpu.memref_slice %arg14[%mul3A_44, %dma_start3A] : memref<5184x128xf32, #tpu.memory_space<vmem_shared>> -> memref<320x128xf32, #tpu.memory_space<vmem_shared>>
      %dma_start3A_64 = arith.constant 0 : i32
      %dma_start3A_65 = tpu.memref_slice %arg2[%add3A_42, %dma_start3A_64] : memref<20480x128xf32, #tpu.memory_space<hbm>> -> memref<320x128xf32, #tpu.memory_space<hbm>>
      tpu.enqueue_dma source(%dma_start3A_65 : memref<320x128xf32, #tpu.memory_space<hbm>>) target(%dma_start3A_63 : memref<320x128xf32, #tpu.memory_space<vmem_shared>>) target_semaphore(%run_scoped3A : memref<!tpu.dma_semaphore, #tpu.memory_space<semaphore_mem>>)
      %dma_wait3A = arith.constant 0 : i32
      %dma_wait3A_66 = tpu.memref_slice %arg14[%mul3A_44, %dma_wait3A] : memref<5184x128xf32, #tpu.memory_space<vmem_shared>> -> memref<320x128xf32, #tpu.memory_space<vmem_shared>>
      %dma_wait3A_67 = arith.constant 0 : i32
      %dma_wait3A_68 = tpu.memref_slice %arg2[%add3A_42, %dma_wait3A_67] : memref<20480x128xf32, #tpu.memory_space<hbm>> -> memref<320x128xf32, #tpu.memory_space<hbm>>
      tpu.wait_dma2 semaphore(%run_scoped3A : memref<!tpu.dma_semaphore, #tpu.memory_space<semaphore_mem>>) src(%dma_wait3A_68 : memref<320x128xf32, #tpu.memory_space<hbm>>) dst(%dma_wait3A_66 : memref<320x128xf32, #tpu.memory_space<vmem_shared>>)
      tpu.yield
    }) : () -> ()
    %barrier3A_45 = arith.constant 0 : index
    tpu.barrier barrier_id(%barrier3A_45)
    %scan3A_46 = arith.constant 0 : i32
    %scan3A_47 = arith.constant 0 : i32
    %scan3A_48 = arith.constant 80 : i32
    %scan3A_49 = arith.addi %scan3A_47, %scan3A_48 : i32
    %scan3A_50 = arith.constant 1 : i32
    scf.for %scan3A_63 = %scan3A_47 to %scan3A_49 step %scan3A_50  : i32 {
      %mul3A_64 = arith.constant 2 : i32
      %mul3A_65 = arith.muli %scan3A_63, %mul3A_64 : i32
      %add3A_66 = arith.constant 0 : i32
      %add3A_67 = arith.addi %mul3A_65, %add3A_66 : i32
      %dma_start3A = arith.constant 0 : i32
      %dma_start3A_68 = tpu.memref_slice %arg6[%add3A_67, %dma_start3A] : memref<160x128xi32, #tpu.memory_space<vmem>> -> memref<1x128xi32, #tpu.memory_space<vmem>>
      %dma_start3A_69 = tpu.memref_squeeze %dma_start3A_68 : memref<1x128xi32, #tpu.memory_space<vmem>> -> memref<128xi32, #tpu.memory_space<vmem>>
      %dma_start3A_70 = arith.constant 0 : i32
      %dma_start3A_71 = arith.constant 0 : i32
      %dma_start3A_72 = tpu.memref_slice %arg2[%dma_start3A_70, %dma_start3A_71] : memref<20480x128xf32, #tpu.memory_space<hbm>> -> memref<20480x128xf32, #tpu.memory_space<hbm>>
      tpu.enqueue_indirect_dma source(%dma_start3A_72 : memref<20480x128xf32, #tpu.memory_space<hbm>>) target(%arg8 : memref<128x128xf32, #tpu.memory_space<vmem>>) offsets(%dma_start3A_69 : memref<128xi32, #tpu.memory_space<vmem>>) semaphore(%arg10 : memref<!tpu.dma_semaphore, #tpu.memory_space<semaphore_mem>>)
      %add3A_73 = arith.constant 1 : i32
      %add3A_74 = arith.addi %mul3A_65, %add3A_73 : i32
      %dma_start3A_75 = arith.constant 0 : i32
      %dma_start3A_76 = tpu.memref_slice %arg6[%add3A_74, %dma_start3A_75] : memref<160x128xi32, #tpu.memory_space<vmem>> -> memref<1x128xi32, #tpu.memory_space<vmem>>
      %dma_start3A_77 = tpu.memref_squeeze %dma_start3A_76 : memref<1x128xi32, #tpu.memory_space<vmem>> -> memref<128xi32, #tpu.memory_space<vmem>>
      %dma_start3A_78 = arith.constant 0 : i32
      %dma_start3A_79 = arith.constant 0 : i32
      %dma_start3A_80 = tpu.memref_slice %arg2[%dma_start3A_78, %dma_start3A_79] : memref<20480x128xf32, #tpu.memory_space<hbm>> -> memref<20480x128xf32, #tpu.memory_space<hbm>>
      tpu.enqueue_indirect_dma source(%dma_start3A_80 : memref<20480x128xf32, #tpu.memory_space<hbm>>) target(%arg9 : memref<128x128xf32, #tpu.memory_space<vmem>>) offsets(%dma_start3A_77 : memref<128xi32, #tpu.memory_space<vmem>>) semaphore(%arg11 : memref<!tpu.dma_semaphore, #tpu.memory_space<semaphore_mem>>)
      %add3A_81 = arith.constant 0 : i32
      %add3A_82 = arith.addi %mul3A_65, %add3A_81 : i32
      %dma_wait3A = arith.constant 0 : i32
      %dma_wait3A_83 = tpu.memref_slice %arg6[%add3A_82, %dma_wait3A] : memref<160x128xi32, #tpu.memory_space<vmem>> -> memref<1x128xi32, #tpu.memory_space<vmem>>
      %dma_wait3A_84 = tpu.memref_squeeze %dma_wait3A_83 : memref<1x128xi32, #tpu.memory_space<vmem>> -> memref<128xi32, #tpu.memory_space<vmem>>
      %dma_wait3A_85 = arith.constant 0 : i32
      %dma_wait3A_86 = arith.constant 0 : i32
      %dma_wait3A_87 = tpu.memref_slice %arg2[%dma_wait3A_85, %dma_wait3A_86] : memref<20480x128xf32, #tpu.memory_space<hbm>> -> memref<20480x128xf32, #tpu.memory_space<hbm>>
      tpu.wait_indirect_dma semaphore(%arg10 : memref<!tpu.dma_semaphore, #tpu.memory_space<semaphore_mem>>) src(%dma_wait3A_87 : memref<20480x128xf32, #tpu.memory_space<hbm>>) dst(%arg8 : memref<128x128xf32, #tpu.memory_space<vmem>>)
      %add3A_88 = arith.constant 0 : i32
      %add3A_89 = arith.addi %mul3A_65, %add3A_88 : i32
      %dma_start3A_90 = arith.constant 0 : i32
      %dma_start3A_91 = tpu.memref_slice %arg7[%add3A_89, %dma_start3A_90] : memref<160x128xi32, #tpu.memory_space<vmem>> -> memref<1x128xi32, #tpu.memory_space<vmem>>
      %dma_start3A_92 = tpu.memref_squeeze %dma_start3A_91 : memref<1x128xi32, #tpu.memory_space<vmem>> -> memref<128xi32, #tpu.memory_space<vmem>>
      %dma_start3A_93 = arith.constant 0 : i32
      %dma_start3A_94 = arith.constant 0 : i32
      %dma_start3A_95 = tpu.memref_slice %arg14[%dma_start3A_93, %dma_start3A_94] : memref<5184x128xf32, #tpu.memory_space<vmem_shared>> -> memref<5184x128xf32, #tpu.memory_space<vmem_shared>>
      tpu.enqueue_indirect_dma source(%arg8 : memref<128x128xf32, #tpu.memory_space<vmem>>) target(%dma_start3A_95 : memref<5184x128xf32, #tpu.memory_space<vmem_shared>>) offsets(%dma_start3A_92 : memref<128xi32, #tpu.memory_space<vmem>>) semaphore(%arg12 : memref<!tpu.dma_semaphore, #tpu.memory_space<semaphore_mem>>) {add = true}
      %add3A_96 = arith.constant 1 : i32
      %add3A_97 = arith.addi %mul3A_65, %add3A_96 : i32
      %dma_wait3A_98 = arith.constant 0 : i32
      %dma_wait3A_99 = tpu.memref_slice %arg6[%add3A_97, %dma_wait3A_98] : memref<160x128xi32, #tpu.memory_space<vmem>> -> memref<1x128xi32, #tpu.memory_space<vmem>>
      %dma_wait3A_100 = tpu.memref_squeeze %dma_wait3A_99 : memref<1x128xi32, #tpu.memory_space<vmem>> -> memref<128xi32, #tpu.memory_space<vmem>>
      %dma_wait3A_101 = arith.constant 0 : i32
      %dma_wait3A_102 = arith.constant 0 : i32
      %dma_wait3A_103 = tpu.memref_slice %arg2[%dma_wait3A_101, %dma_wait3A_102] : memref<20480x128xf32, #tpu.memory_space<hbm>> -> memref<20480x128xf32, #tpu.memory_space<hbm>>
      tpu.wait_indirect_dma semaphore(%arg11 : memref<!tpu.dma_semaphore, #tpu.memory_space<semaphore_mem>>) src(%dma_wait3A_103 : memref<20480x128xf32, #tpu.memory_space<hbm>>) dst(%arg9 : memref<128x128xf32, #tpu.memory_space<vmem>>)
      %add3A_104 = arith.constant 1 : i32
      %add3A_105 = arith.addi %mul3A_65, %add3A_104 : i32
      %dma_start3A_106 = arith.constant 0 : i32
      %dma_start3A_107 = tpu.memref_slice %arg7[%add3A_105, %dma_start3A_106] : memref<160x128xi32, #tpu.memory_space<vmem>> -> memref<1x128xi32, #tpu.memory_space<vmem>>
      %dma_start3A_108 = tpu.memref_squeeze %dma_start3A_107 : memref<1x128xi32, #tpu.memory_space<vmem>> -> memref<128xi32, #tpu.memory_space<vmem>>
      %dma_start3A_109 = arith.constant 0 : i32
      %dma_start3A_110 = arith.constant 0 : i32
      %dma_start3A_111 = tpu.memref_slice %arg14[%dma_start3A_109, %dma_start3A_110] : memref<5184x128xf32, #tpu.memory_space<vmem_shared>> -> memref<5184x128xf32, #tpu.memory_space<vmem_shared>>
      tpu.enqueue_indirect_dma source(%arg9 : memref<128x128xf32, #tpu.memory_space<vmem>>) target(%dma_start3A_111 : memref<5184x128xf32, #tpu.memory_space<vmem_shared>>) offsets(%dma_start3A_108 : memref<128xi32, #tpu.memory_space<vmem>>) semaphore(%arg13 : memref<!tpu.dma_semaphore, #tpu.memory_space<semaphore_mem>>) {add = true}
      %add3A_112 = arith.constant 0 : i32
      %add3A_113 = arith.addi %mul3A_65, %add3A_112 : i32
      %dma_wait3A_114 = arith.constant 0 : i32
      %dma_wait3A_115 = tpu.memref_slice %arg7[%add3A_113, %dma_wait3A_114] : memref<160x128xi32, #tpu.memory_space<vmem>> -> memref<1x128xi32, #tpu.memory_space<vmem>>
      %dma_wait3A_116 = tpu.memref_squeeze %dma_wait3A_115 : memref<1x128xi32, #tpu.memory_space<vmem>> -> memref<128xi32, #tpu.memory_space<vmem>>
      %dma_wait3A_117 = arith.constant 0 : i32
      %dma_wait3A_118 = arith.constant 0 : i32
      %dma_wait3A_119 = tpu.memref_slice %arg14[%dma_wait3A_117, %dma_wait3A_118] : memref<5184x128xf32, #tpu.memory_space<vmem_shared>> -> memref<5184x128xf32, #tpu.memory_space<vmem_shared>>
      tpu.wait_indirect_dma semaphore(%arg12 : memref<!tpu.dma_semaphore, #tpu.memory_space<semaphore_mem>>) src(%arg8 : memref<128x128xf32, #tpu.memory_space<vmem>>) dst(%dma_wait3A_119 : memref<5184x128xf32, #tpu.memory_space<vmem_shared>>)
      %add3A_120 = arith.constant 1 : i32
      %add3A_121 = arith.addi %mul3A_65, %add3A_120 : i32
      %dma_wait3A_122 = arith.constant 0 : i32
      %dma_wait3A_123 = tpu.memref_slice %arg7[%add3A_121, %dma_wait3A_122] : memref<160x128xi32, #tpu.memory_space<vmem>> -> memref<1x128xi32, #tpu.memory_space<vmem>>
      %dma_wait3A_124 = tpu.memref_squeeze %dma_wait3A_123 : memref<1x128xi32, #tpu.memory_space<vmem>> -> memref<128xi32, #tpu.memory_space<vmem>>
      %dma_wait3A_125 = arith.constant 0 : i32
      %dma_wait3A_126 = arith.constant 0 : i32
      %dma_wait3A_127 = tpu.memref_slice %arg14[%dma_wait3A_125, %dma_wait3A_126] : memref<5184x128xf32, #tpu.memory_space<vmem_shared>> -> memref<5184x128xf32, #tpu.memory_space<vmem_shared>>
      tpu.wait_indirect_dma semaphore(%arg13 : memref<!tpu.dma_semaphore, #tpu.memory_space<semaphore_mem>>) src(%arg9 : memref<128x128xf32, #tpu.memory_space<vmem>>) dst(%dma_wait3A_127 : memref<5184x128xf32, #tpu.memory_space<vmem_shared>>)
    }
    %scan3A_51 = arith.constant 80 : i32
    %barrier3A_52 = arith.constant 0 : index
    tpu.barrier barrier_id(%barrier3A_52)
    %mul3A_53 = arith.constant 320 : i32
    %mul3A_54 = arith.muli %arg1, %mul3A_53 : i32
    %mul3A_55 = arith.constant 10240 : i32
    %mul3A_56 = arith.muli %arg0, %mul3A_55 : i32
    %add3A_57 = arith.constant 5120 : i32
    %add3A_58 = arith.addi %mul3A_56, %add3A_57 : i32
    %mul3A_59 = arith.constant 320 : i32
    %mul3A_60 = arith.muli %arg1, %mul3A_59 : i32
    %add3A_61 = arith.addi %add3A_58, %mul3A_60 : i32
    "tpu.region"() ({
      %run_scoped3A = tpu.sem_alloc : memref<!tpu.dma_semaphore, #tpu.memory_space<semaphore_mem>>
      %dma_start3A = arith.constant 0 : i32
      %dma_start3A_63 = tpu.memref_slice %arg5[%add3A_61, %dma_start3A] : memref<20480x128xf32, #tpu.memory_space<hbm>> -> memref<320x128xf32, #tpu.memory_space<hbm>>
      %dma_start3A_64 = arith.constant 0 : i32
      %dma_start3A_65 = tpu.memref_slice %arg14[%mul3A_54, %dma_start3A_64] : memref<5184x128xf32, #tpu.memory_space<vmem_shared>> -> memref<320x128xf32, #tpu.memory_space<vmem_shared>>
      tpu.enqueue_dma source(%dma_start3A_65 : memref<320x128xf32, #tpu.memory_space<vmem_shared>>) target(%dma_start3A_63 : memref<320x128xf32, #tpu.memory_space<hbm>>) target_semaphore(%run_scoped3A : memref<!tpu.dma_semaphore, #tpu.memory_space<semaphore_mem>>)
      %dma_wait3A = arith.constant 0 : i32
      %dma_wait3A_66 = tpu.memref_slice %arg5[%add3A_61, %dma_wait3A] : memref<20480x128xf32, #tpu.memory_space<hbm>> -> memref<320x128xf32, #tpu.memory_space<hbm>>
      %dma_wait3A_67 = arith.constant 0 : i32
      %dma_wait3A_68 = tpu.memref_slice %arg14[%mul3A_54, %dma_wait3A_67] : memref<5184x128xf32, #tpu.memory_space<vmem_shared>> -> memref<320x128xf32, #tpu.memory_space<vmem_shared>>
      tpu.wait_dma2 semaphore(%run_scoped3A : memref<!tpu.dma_semaphore, #tpu.memory_space<semaphore_mem>>) src(%dma_wait3A_68 : memref<320x128xf32, #tpu.memory_space<vmem_shared>>) dst(%dma_wait3A_66 : memref<320x128xf32, #tpu.memory_space<hbm>>)
      tpu.yield
    }) : () -> ()
    %barrier3A_62 = arith.constant 0 : index
    tpu.barrier barrier_id(%barrier3A_62)
    return
  }
}

#map = affine_map<(d0, d1) -> (0, 0)>
module attributes {stable_mosaic.version = 14 : i64} {
  func.func @agg_kernel(%arg0: i32, %arg1: i32, %arg2: memref<20480x128xf32, #tpu.memory_space<hbm>>, %arg3: memref<5120x128xi32, #tpu.memory_space<hbm>>, %arg4: memref<5120x128xi32, #tpu.memory_space<hbm>>, %arg5: memref<20480x128xf32, #tpu.memory_space<hbm>>, %arg6: memref<160x128xi32, #tpu.memory_space<vmem>>, %arg7: memref<160x128xi32, #tpu.memory_space<vmem>>, %arg8: memref<128x128xf32, #tpu.memory_space<vmem>>, %arg9: memref<128x128xf32, #tpu.memory_space<vmem>>, %arg10: memref<!tpu.dma_semaphore, #tpu.memory_space<semaphore_mem>>, %arg11: memref<!tpu.dma_semaphore, #tpu.memory_space<semaphore_mem>>, %arg12: memref<!tpu.dma_semaphore, #tpu.memory_space<semaphore_mem>>, %arg13: memref<!tpu.dma_semaphore, #tpu.memory_space<semaphore_mem>>, %arg14: memref<5184x128xf32, #tpu.memory_space<vmem_shared>>) attributes {dimension_semantics = [#tpu.dimension_semantics<core_parallel>, #tpu.dimension_semantics<subcore_parallel>], iteration_bounds = array<i64: 2, 16>, scalar_prefetch = 0 : i64, scratch_operands = 9 : i64, tpu.core_type = #tpu.core_type<sc_vector_subcore>, window_params = [{transform_indices = #map}, {transform_indices = #map}, {transform_indices = #map}, {transform_indices = #map}]} {
    %mul3A = arith.constant 2560 : i32
    %mul3A_0 = arith.muli %arg0, %mul3A : i32
    %mul3A_1 = arith.constant 160 : i32
    %mul3A_2 = arith.muli %arg1, %mul3A_1 : i32
    %add3A = arith.addi %mul3A_0, %mul3A_2 : i32
    "tpu.region"() ({
      %run_scoped3A = tpu.sem_alloc : memref<!tpu.dma_semaphore, #tpu.memory_space<semaphore_mem>>
      %dma_start3A = arith.constant 0 : i32
      %dma_start3A_63 = tpu.memref_slice %arg3[%add3A, %dma_start3A] : memref<5120x128xi32, #tpu.memory_space<hbm>> -> memref<160x128xi32, #tpu.memory_space<hbm>>
      %dma_start3A_64 = arith.constant 0 : i32
      %dma_start3A_65 = tpu.memref_slice %arg3[%add3A, %dma_start3A_64] : memref<5120x128xi32, #tpu.memory_space<hbm>> -> memref<160x128xi32, #tpu.memory_space<hbm>>
      tpu.enqueue_dma source(%dma_start3A_65 : memref<160x128xi32, #tpu.memory_space<hbm>>) target(%arg6 : memref<160x128xi32, #tpu.memory_space<vmem>>) target_semaphore(%run_scoped3A : memref<!tpu.dma_semaphore, #tpu.memory_space<semaphore_mem>>)
      %dma_wait3A = arith.constant 0 : i32
      %dma_wait3A_66 = tpu.memref_slice %arg3[%add3A, %dma_wait3A] : memref<5120x128xi32, #tpu.memory_space<hbm>> -> memref<160x128xi32, #tpu.memory_space<hbm>>
      %dma_wait3A_67 = arith.constant 0 : i32
      %dma_wait3A_68 = tpu.memref_slice %arg3[%add3A, %dma_wait3A_67] : memref<5120x128xi32, #tpu.memory_space<hbm>> -> memref<160x128xi32, #tpu.memory_space<hbm>>
      tpu.wait_dma2 semaphore(%run_scoped3A : memref<!tpu.dma_semaphore, #tpu.memory_space<semaphore_mem>>) src(%dma_wait3A_68 : memref<160x128xi32, #tpu.memory_space<hbm>>) dst(%arg6 : memref<160x128xi32, #tpu.memory_space<vmem>>)
      tpu.yield
    }) : () -> ()
    %mul3A_3 = arith.constant 160 : i32
    %mul3A_4 = arith.muli %arg1, %mul3A_3 : i32
    %add3A_5 = arith.constant 0 : i32
    %add3A_6 = arith.addi %add3A_5, %mul3A_4 : i32
    "tpu.region"() ({
      %run_scoped3A = tpu.sem_alloc : memref<!tpu.dma_semaphore, #tpu.memory_space<semaphore_mem>>
      %dma_start3A = arith.constant 0 : i32
      %dma_start3A_63 = tpu.memref_slice %arg4[%add3A_6, %dma_start3A] : memref<5120x128xi32, #tpu.memory_space<hbm>> -> memref<160x128xi32, #tpu.memory_space<hbm>>
      %dma_start3A_64 = arith.constant 0 : i32
      %dma_start3A_65 = tpu.memref_slice %arg4[%add3A_6, %dma_start3A_64] : memref<5120x128xi32, #tpu.memory_space<hbm>> -> memref<160x128xi32, #tpu.memory_space<hbm>>
      tpu.enqueue_dma source(%dma_start3A_65 : memref<160x128xi32, #tpu.memory_space<hbm>>) target(%arg7 : memref<160x128xi32, #tpu.memory_space<vmem>>) target_semaphore(%run_scoped3A : memref<!tpu.dma_semaphore, #tpu.memory_space<semaphore_mem>>)
      %dma_wait3A = arith.constant 0 : i32
      %dma_wait3A_66 = tpu.memref_slice %arg4[%add3A_6, %dma_wait3A] : memref<5120x128xi32, #tpu.memory_space<hbm>> -> memref<160x128xi32, #tpu.memory_space<hbm>>
      %dma_wait3A_67 = arith.constant 0 : i32
      %dma_wait3A_68 = tpu.memref_slice %arg4[%add3A_6, %dma_wait3A_67] : memref<5120x128xi32, #tpu.memory_space<hbm>> -> memref<160x128xi32, #tpu.memory_space<hbm>>
      tpu.wait_dma2 semaphore(%run_scoped3A : memref<!tpu.dma_semaphore, #tpu.memory_space<semaphore_mem>>) src(%dma_wait3A_68 : memref<160x128xi32, #tpu.memory_space<hbm>>) dst(%arg7 : memref<160x128xi32, #tpu.memory_space<vmem>>)
      tpu.yield
    }) : () -> ()
    %mul3A_7 = arith.constant 10240 : i32
    %mul3A_8 = arith.muli %arg0, %mul3A_7 : i32
    %add3A_9 = arith.constant 0 : i32
    %add3A_10 = arith.addi %mul3A_8, %add3A_9 : i32
    %mul3A_11 = arith.constant 320 : i32
    %mul3A_12 = arith.muli %arg1, %mul3A_11 : i32
    %add3A_13 = arith.addi %add3A_10, %mul3A_12 : i32
    %mul3A_14 = arith.constant 320 : i32
    %mul3A_15 = arith.muli %arg1, %mul3A_14 : i32
    "tpu.region"() ({
      %run_scoped3A = tpu.sem_alloc : memref<!tpu.dma_semaphore, #tpu.memory_space<semaphore_mem>>
      %dma_start3A = arith.constant 0 : i32
      %dma_start3A_63 = tpu.memref_slice %arg14[%mul3A_15, %dma_start3A] : memref<5184x128xf32, #tpu.memory_space<vmem_shared>> -> memref<320x128xf32, #tpu.memory_space<vmem_shared>>
      %dma_start3A_64 = arith.constant 0 : i32
      %dma_start3A_65 = tpu.memref_slice %arg2[%add3A_13, %dma_start3A_64] : memref<20480x128xf32, #tpu.memory_space<hbm>> -> memref<320x128xf32, #tpu.memory_space<hbm>>
      tpu.enqueue_dma source(%dma_start3A_65 : memref<320x128xf32, #tpu.memory_space<hbm>>) target(%dma_start3A_63 : memref<320x128xf32, #tpu.memory_space<vmem_shared>>) target_semaphore(%run_scoped3A : memref<!tpu.dma_semaphore, #tpu.memory_space<semaphore_mem>>)
      %dma_wait3A = arith.constant 0 : i32
      %dma_wait3A_66 = tpu.memref_slice %arg14[%mul3A_15, %dma_wait3A] : memref<5184x128xf32, #tpu.memory_space<vmem_shared>> -> memref<320x128xf32, #tpu.memory_space<vmem_shared>>
      %dma_wait3A_67 = arith.constant 0 : i32
      %dma_wait3A_68 = tpu.memref_slice %arg2[%add3A_13, %dma_wait3A_67] : memref<20480x128xf32, #tpu.memory_space<hbm>> -> memref<320x128xf32, #tpu.memory_space<hbm>>
      tpu.wait_dma2 semaphore(%run_scoped3A : memref<!tpu.dma_semaphore, #tpu.memory_space<semaphore_mem>>) src(%dma_wait3A_68 : memref<320x128xf32, #tpu.memory_space<hbm>>) dst(%dma_wait3A_66 : memref<320x128xf32, #tpu.memory_space<vmem_shared>>)
      tpu.yield
    }) : () -> ()
    %barrier3A = arith.constant 0 : index
    tpu.barrier barrier_id(%barrier3A)
    %scan3A = arith.constant 0 : i32
    %scan3A_16 = arith.constant 0 : i32
    %scan3A_17 = arith.constant 80 : i32
    %scan3A_18 = arith.addi %scan3A_16, %scan3A_17 : i32
    %scan3A_19 = arith.constant 1 : i32
    scf.for %scan3A_63 = %scan3A_16 to %scan3A_18 step %scan3A_19  : i32 {
      %mul3A_64 = arith.constant 2 : i32
      %mul3A_65 = arith.muli %scan3A_63, %mul3A_64 : i32
      %add3A_66 = arith.constant 0 : i32
      %add3A_67 = arith.addi %mul3A_65, %add3A_66 : i32
      %dma_start3A = arith.constant 0 : i32
      %dma_start3A_68 = tpu.memref_slice %arg6[%add3A_67, %dma_start3A] : memref<160x128xi32, #tpu.memory_space<vmem>> -> memref<1x128xi32, #tpu.memory_space<vmem>>
      %dma_start3A_69 = tpu.memref_squeeze %dma_start3A_68 : memref<1x128xi32, #tpu.memory_space<vmem>> -> memref<128xi32, #tpu.memory_space<vmem>>
      %dma_start3A_70 = arith.constant 0 : i32
      %dma_start3A_71 = arith.constant 0 : i32
      %dma_start3A_72 = tpu.memref_slice %arg2[%dma_start3A_70, %dma_start3A_71] : memref<20480x128xf32, #tpu.memory_space<hbm>> -> memref<20480x128xf32, #tpu.memory_space<hbm>>
      tpu.enqueue_indirect_dma source(%dma_start3A_72 : memref<20480x128xf32, #tpu.memory_space<hbm>>) target(%arg8 : memref<128x128xf32, #tpu.memory_space<vmem>>) offsets(%dma_start3A_69 : memref<128xi32, #tpu.memory_space<vmem>>) semaphore(%arg10 : memref<!tpu.dma_semaphore, #tpu.memory_space<semaphore_mem>>)
      %add3A_73 = arith.constant 1 : i32
      %add3A_74 = arith.addi %mul3A_65, %add3A_73 : i32
      %dma_start3A_75 = arith.constant 0 : i32
      %dma_start3A_76 = tpu.memref_slice %arg6[%add3A_74, %dma_start3A_75] : memref<160x128xi32, #tpu.memory_space<vmem>> -> memref<1x128xi32, #tpu.memory_space<vmem>>
      %dma_start3A_77 = tpu.memref_squeeze %dma_start3A_76 : memref<1x128xi32, #tpu.memory_space<vmem>> -> memref<128xi32, #tpu.memory_space<vmem>>
      %dma_start3A_78 = arith.constant 0 : i32
      %dma_start3A_79 = arith.constant 0 : i32
      %dma_start3A_80 = tpu.memref_slice %arg2[%dma_start3A_78, %dma_start3A_79] : memref<20480x128xf32, #tpu.memory_space<hbm>> -> memref<20480x128xf32, #tpu.memory_space<hbm>>
      tpu.enqueue_indirect_dma source(%dma_start3A_80 : memref<20480x128xf32, #tpu.memory_space<hbm>>) target(%arg9 : memref<128x128xf32, #tpu.memory_space<vmem>>) offsets(%dma_start3A_77 : memref<128xi32, #tpu.memory_space<vmem>>) semaphore(%arg11 : memref<!tpu.dma_semaphore, #tpu.memory_space<semaphore_mem>>)
      %add3A_81 = arith.constant 0 : i32
      %add3A_82 = arith.addi %mul3A_65, %add3A_81 : i32
      %dma_wait3A = arith.constant 0 : i32
      %dma_wait3A_83 = tpu.memref_slice %arg6[%add3A_82, %dma_wait3A] : memref<160x128xi32, #tpu.memory_space<vmem>> -> memref<1x128xi32, #tpu.memory_space<vmem>>
      %dma_wait3A_84 = tpu.memref_squeeze %dma_wait3A_83 : memref<1x128xi32, #tpu.memory_space<vmem>> -> memref<128xi32, #tpu.memory_space<vmem>>
      %dma_wait3A_85 = arith.constant 0 : i32
      %dma_wait3A_86 = arith.constant 0 : i32
      %dma_wait3A_87 = tpu.memref_slice %arg2[%dma_wait3A_85, %dma_wait3A_86] : memref<20480x128xf32, #tpu.memory_space<hbm>> -> memref<20480x128xf32, #tpu.memory_space<hbm>>
      tpu.wait_indirect_dma semaphore(%arg10 : memref<!tpu.dma_semaphore, #tpu.memory_space<semaphore_mem>>) src(%dma_wait3A_87 : memref<20480x128xf32, #tpu.memory_space<hbm>>) dst(%arg8 : memref<128x128xf32, #tpu.memory_space<vmem>>)
      %add3A_88 = arith.constant 0 : i32
      %add3A_89 = arith.addi %mul3A_65, %add3A_88 : i32
      %dma_start3A_90 = arith.constant 0 : i32
      %dma_start3A_91 = tpu.memref_slice %arg7[%add3A_89, %dma_start3A_90] : memref<160x128xi32, #tpu.memory_space<vmem>> -> memref<1x128xi32, #tpu.memory_space<vmem>>
      %dma_start3A_92 = tpu.memref_squeeze %dma_start3A_91 : memref<1x128xi32, #tpu.memory_space<vmem>> -> memref<128xi32, #tpu.memory_space<vmem>>
      %dma_start3A_93 = arith.constant 0 : i32
      %dma_start3A_94 = arith.constant 0 : i32
      %dma_start3A_95 = tpu.memref_slice %arg14[%dma_start3A_93, %dma_start3A_94] : memref<5184x128xf32, #tpu.memory_space<vmem_shared>> -> memref<5184x128xf32, #tpu.memory_space<vmem_shared>>
      tpu.enqueue_indirect_dma source(%arg8 : memref<128x128xf32, #tpu.memory_space<vmem>>) target(%dma_start3A_95 : memref<5184x128xf32, #tpu.memory_space<vmem_shared>>) offsets(%dma_start3A_92 : memref<128xi32, #tpu.memory_space<vmem>>) semaphore(%arg12 : memref<!tpu.dma_semaphore, #tpu.memory_space<semaphore_mem>>) {add = true}
      %add3A_96 = arith.constant 1 : i32
      %add3A_97 = arith.addi %mul3A_65, %add3A_96 : i32
      %dma_wait3A_98 = arith.constant 0 : i32
      %dma_wait3A_99 = tpu.memref_slice %arg6[%add3A_97, %dma_wait3A_98] : memref<160x128xi32, #tpu.memory_space<vmem>> -> memref<1x128xi32, #tpu.memory_space<vmem>>
      %dma_wait3A_100 = tpu.memref_squeeze %dma_wait3A_99 : memref<1x128xi32, #tpu.memory_space<vmem>> -> memref<128xi32, #tpu.memory_space<vmem>>
      %dma_wait3A_101 = arith.constant 0 : i32
      %dma_wait3A_102 = arith.constant 0 : i32
      %dma_wait3A_103 = tpu.memref_slice %arg2[%dma_wait3A_101, %dma_wait3A_102] : memref<20480x128xf32, #tpu.memory_space<hbm>> -> memref<20480x128xf32, #tpu.memory_space<hbm>>
      tpu.wait_indirect_dma semaphore(%arg11 : memref<!tpu.dma_semaphore, #tpu.memory_space<semaphore_mem>>) src(%dma_wait3A_103 : memref<20480x128xf32, #tpu.memory_space<hbm>>) dst(%arg9 : memref<128x128xf32, #tpu.memory_space<vmem>>)
      %add3A_104 = arith.constant 1 : i32
      %add3A_105 = arith.addi %mul3A_65, %add3A_104 : i32
      %dma_start3A_106 = arith.constant 0 : i32
      %dma_start3A_107 = tpu.memref_slice %arg7[%add3A_105, %dma_start3A_106] : memref<160x128xi32, #tpu.memory_space<vmem>> -> memref<1x128xi32, #tpu.memory_space<vmem>>
      %dma_start3A_108 = tpu.memref_squeeze %dma_start3A_107 : memref<1x128xi32, #tpu.memory_space<vmem>> -> memref<128xi32, #tpu.memory_space<vmem>>
      %dma_start3A_109 = arith.constant 0 : i32
      %dma_start3A_110 = arith.constant 0 : i32
      %dma_start3A_111 = tpu.memref_slice %arg14[%dma_start3A_109, %dma_start3A_110] : memref<5184x128xf32, #tpu.memory_space<vmem_shared>> -> memref<5184x128xf32, #tpu.memory_space<vmem_shared>>
      tpu.enqueue_indirect_dma source(%arg9 : memref<128x128xf32, #tpu.memory_space<vmem>>) target(%dma_start3A_111 : memref<5184x128xf32, #tpu.memory_space<vmem_shared>>) offsets(%dma_start3A_108 : memref<128xi32, #tpu.memory_space<vmem>>) semaphore(%arg13 : memref<!tpu.dma_semaphore, #tpu.memory_space<semaphore_mem>>) {add = true}
      %add3A_112 = arith.constant 0 : i32
      %add3A_113 = arith.addi %mul3A_65, %add3A_112 : i32
      %dma_wait3A_114 = arith.constant 0 : i32
      %dma_wait3A_115 = tpu.memref_slice %arg7[%add3A_113, %dma_wait3A_114] : memref<160x128xi32, #tpu.memory_space<vmem>> -> memref<1x128xi32, #tpu.memory_space<vmem>>
      %dma_wait3A_116 = tpu.memref_squeeze %dma_wait3A_115 : memref<1x128xi32, #tpu.memory_space<vmem>> -> memref<128xi32, #tpu.memory_space<vmem>>
      %dma_wait3A_117 = arith.constant 0 : i32
      %dma_wait3A_118 = arith.constant 0 : i32
      %dma_wait3A_119 = tpu.memref_slice %arg14[%dma_wait3A_117, %dma_wait3A_118] : memref<5184x128xf32, #tpu.memory_space<vmem_shared>> -> memref<5184x128xf32, #tpu.memory_space<vmem_shared>>
      tpu.wait_indirect_dma semaphore(%arg12 : memref<!tpu.dma_semaphore, #tpu.memory_space<semaphore_mem>>) src(%arg8 : memref<128x128xf32, #tpu.memory_space<vmem>>) dst(%dma_wait3A_119 : memref<5184x128xf32, #tpu.memory_space<vmem_shared>>)
      %add3A_120 = arith.constant 1 : i32
      %add3A_121 = arith.addi %mul3A_65, %add3A_120 : i32
      %dma_wait3A_122 = arith.constant 0 : i32
      %dma_wait3A_123 = tpu.memref_slice %arg7[%add3A_121, %dma_wait3A_122] : memref<160x128xi32, #tpu.memory_space<vmem>> -> memref<1x128xi32, #tpu.memory_space<vmem>>
      %dma_wait3A_124 = tpu.memref_squeeze %dma_wait3A_123 : memref<1x128xi32, #tpu.memory_space<vmem>> -> memref<128xi32, #tpu.memory_space<vmem>>
      %dma_wait3A_125 = arith.constant 0 : i32
      %dma_wait3A_126 = arith.constant 0 : i32
      %dma_wait3A_127 = tpu.memref_slice %arg14[%dma_wait3A_125, %dma_wait3A_126] : memref<5184x128xf32, #tpu.memory_space<vmem_shared>> -> memref<5184x128xf32, #tpu.memory_space<vmem_shared>>
      tpu.wait_indirect_dma semaphore(%arg13 : memref<!tpu.dma_semaphore, #tpu.memory_space<semaphore_mem>>) src(%arg9 : memref<128x128xf32, #tpu.memory_space<vmem>>) dst(%dma_wait3A_127 : memref<5184x128xf32, #tpu.memory_space<vmem_shared>>)
    }
    %scan3A_20 = arith.constant 80 : i32
    %barrier3A_21 = arith.constant 0 : index
    tpu.barrier barrier_id(%barrier3A_21)
    %mul3A_22 = arith.constant 320 : i32
    %mul3A_23 = arith.muli %arg1, %mul3A_22 : i32
    %mul3A_24 = arith.constant 10240 : i32
    %mul3A_25 = arith.muli %arg0, %mul3A_24 : i32
    %add3A_26 = arith.constant 0 : i32
    %add3A_27 = arith.addi %mul3A_25, %add3A_26 : i32
    %mul3A_28 = arith.constant 320 : i32
    %mul3A_29 = arith.muli %arg1, %mul3A_28 : i32
    %add3A_30 = arith.addi %add3A_27, %mul3A_29 : i32
    "tpu.region"() ({
      %run_scoped3A = tpu.sem_alloc : memref<!tpu.dma_semaphore, #tpu.memory_space<semaphore_mem>>
      %dma_start3A = arith.constant 0 : i32
      %dma_start3A_63 = tpu.memref_slice %arg5[%add3A_30, %dma_start3A] : memref<20480x128xf32, #tpu.memory_space<hbm>> -> memref<320x128xf32, #tpu.memory_space<hbm>>
      %dma_start3A_64 = arith.constant 0 : i32
      %dma_start3A_65 = tpu.memref_slice %arg14[%mul3A_23, %dma_start3A_64] : memref<5184x128xf32, #tpu.memory_space<vmem_shared>> -> memref<320x128xf32, #tpu.memory_space<vmem_shared>>
      tpu.enqueue_dma source(%dma_start3A_65 : memref<320x128xf32, #tpu.memory_space<vmem_shared>>) target(%dma_start3A_63 : memref<320x128xf32, #tpu.memory_space<hbm>>) target_semaphore(%run_scoped3A : memref<!tpu.dma_semaphore, #tpu.memory_space<semaphore_mem>>)
      %dma_wait3A = arith.constant 0 : i32
      %dma_wait3A_66 = tpu.memref_slice %arg5[%add3A_30, %dma_wait3A] : memref<20480x128xf32, #tpu.memory_space<hbm>> -> memref<320x128xf32, #tpu.memory_space<hbm>>
      %dma_wait3A_67 = arith.constant 0 : i32
      %dma_wait3A_68 = tpu.memref_slice %arg14[%mul3A_23, %dma_wait3A_67] : memref<5184x128xf32, #tpu.memory_space<vmem_shared>> -> memref<320x128xf32, #tpu.memory_space<vmem_shared>>
      tpu.wait_dma2 semaphore(%run_scoped3A : memref<!tpu.dma_semaphore, #tpu.memory_space<semaphore_mem>>) src(%dma_wait3A_68 : memref<320x128xf32, #tpu.memory_space<vmem_shared>>) dst(%dma_wait3A_66 : memref<320x128xf32, #tpu.memory_space<hbm>>)
      tpu.yield
    }) : () -> ()
    %barrier3A_31 = arith.constant 0 : index
    tpu.barrier barrier_id(%barrier3A_31)
    %mul3A_32 = arith.constant 160 : i32
    %mul3A_33 = arith.muli %arg1, %mul3A_32 : i32
    %add3A_34 = arith.constant 2560 : i32
    %add3A_35 = arith.addi %add3A_34, %mul3A_33 : i32
    "tpu.region"() ({
      %run_scoped3A = tpu.sem_alloc : memref<!tpu.dma_semaphore, #tpu.memory_space<semaphore_mem>>
      %dma_start3A = arith.constant 0 : i32
      %dma_start3A_63 = tpu.memref_slice %arg4[%add3A_35, %dma_start3A] : memref<5120x128xi32, #tpu.memory_space<hbm>> -> memref<160x128xi32, #tpu.memory_space<hbm>>
      %dma_start3A_64 = arith.constant 0 : i32
      %dma_start3A_65 = tpu.memref_slice %arg4[%add3A_35, %dma_start3A_64] : memref<5120x128xi32, #tpu.memory_space<hbm>> -> memref<160x128xi32, #tpu.memory_space<hbm>>
      tpu.enqueue_dma source(%dma_start3A_65 : memref<160x128xi32, #tpu.memory_space<hbm>>) target(%arg7 : memref<160x128xi32, #tpu.memory_space<vmem>>) target_semaphore(%run_scoped3A : memref<!tpu.dma_semaphore, #tpu.memory_space<semaphore_mem>>)
      %dma_wait3A = arith.constant 0 : i32
      %dma_wait3A_66 = tpu.memref_slice %arg4[%add3A_35, %dma_wait3A] : memref<5120x128xi32, #tpu.memory_space<hbm>> -> memref<160x128xi32, #tpu.memory_space<hbm>>
      %dma_wait3A_67 = arith.constant 0 : i32
      %dma_wait3A_68 = tpu.memref_slice %arg4[%add3A_35, %dma_wait3A_67] : memref<5120x128xi32, #tpu.memory_space<hbm>> -> memref<160x128xi32, #tpu.memory_space<hbm>>
      tpu.wait_dma2 semaphore(%run_scoped3A : memref<!tpu.dma_semaphore, #tpu.memory_space<semaphore_mem>>) src(%dma_wait3A_68 : memref<160x128xi32, #tpu.memory_space<hbm>>) dst(%arg7 : memref<160x128xi32, #tpu.memory_space<vmem>>)
      tpu.yield
    }) : () -> ()
    %mul3A_36 = arith.constant 10240 : i32
    %mul3A_37 = arith.muli %arg0, %mul3A_36 : i32
    %add3A_38 = arith.constant 5120 : i32
    %add3A_39 = arith.addi %mul3A_37, %add3A_38 : i32
    %mul3A_40 = arith.constant 320 : i32
    %mul3A_41 = arith.muli %arg1, %mul3A_40 : i32
    %add3A_42 = arith.addi %add3A_39, %mul3A_41 : i32
    %mul3A_43 = arith.constant 320 : i32
    %mul3A_44 = arith.muli %arg1, %mul3A_43 : i32
    "tpu.region"() ({
      %run_scoped3A = tpu.sem_alloc : memref<!tpu.dma_semaphore, #tpu.memory_space<semaphore_mem>>
      %dma_start3A = arith.constant 0 : i32
      %dma_start3A_63 = tpu.memref_slice %arg14[%mul3A_44, %dma_start3A] : memref<5184x128xf32, #tpu.memory_space<vmem_shared>> -> memref<320x128xf32, #tpu.memory_space<vmem_shared>>
      %dma_start3A_64 = arith.constant 0 : i32
      %dma_start3A_65 = tpu.memref_slice %arg2[%add3A_42, %dma_start3A_64] : memref<20480x128xf32, #tpu.memory_space<hbm>> -> memref<320x128xf32, #tpu.memory_space<hbm>>
      tpu.enqueue_dma source(%dma_start3A_65 : memref<320x128xf32, #tpu.memory_space<hbm>>) target(%dma_start3A_63 : memref<320x128xf32, #tpu.memory_space<vmem_shared>>) target_semaphore(%run_scoped3A : memref<!tpu.dma_semaphore, #tpu.memory_space<semaphore_mem>>)
      %dma_wait3A = arith.constant 0 : i32
      %dma_wait3A_66 = tpu.memref_slice %arg14[%mul3A_44, %dma_wait3A] : memref<5184x128xf32, #tpu.memory_space<vmem_shared>> -> memref<320x128xf32, #tpu.memory_space<vmem_shared>>
      %dma_wait3A_67 = arith.constant 0 : i32
      %dma_wait3A_68 = tpu.memref_slice %arg2[%add3A_42, %dma_wait3A_67] : memref<20480x128xf32, #tpu.memory_space<hbm>> -> memref<320x128xf32, #tpu.memory_space<hbm>>
      tpu.wait_dma2 semaphore(%run_scoped3A : memref<!tpu.dma_semaphore, #tpu.memory_space<semaphore_mem>>) src(%dma_wait3A_68 : memref<320x128xf32, #tpu.memory_space<hbm>>) dst(%dma_wait3A_66 : memref<320x128xf32, #tpu.memory_space<vmem_shared>>)
      tpu.yield
    }) : () -> ()
    %barrier3A_45 = arith.constant 0 : index
    tpu.barrier barrier_id(%barrier3A_45)
    %scan3A_46 = arith.constant 0 : i32
    %scan3A_47 = arith.constant 0 : i32
    %scan3A_48 = arith.constant 80 : i32
    %scan3A_49 = arith.addi %scan3A_47, %scan3A_48 : i32
    %scan3A_50 = arith.constant 1 : i32
    scf.for %scan3A_63 = %scan3A_47 to %scan3A_49 step %scan3A_50  : i32 {
      %mul3A_64 = arith.constant 2 : i32
      %mul3A_65 = arith.muli %scan3A_63, %mul3A_64 : i32
      %add3A_66 = arith.constant 0 : i32
      %add3A_67 = arith.addi %mul3A_65, %add3A_66 : i32
      %dma_start3A = arith.constant 0 : i32
      %dma_start3A_68 = tpu.memref_slice %arg6[%add3A_67, %dma_start3A] : memref<160x128xi32, #tpu.memory_space<vmem>> -> memref<1x128xi32, #tpu.memory_space<vmem>>
      %dma_start3A_69 = tpu.memref_squeeze %dma_start3A_68 : memref<1x128xi32, #tpu.memory_space<vmem>> -> memref<128xi32, #tpu.memory_space<vmem>>
      %dma_start3A_70 = arith.constant 0 : i32
      %dma_start3A_71 = arith.constant 0 : i32
      %dma_start3A_72 = tpu.memref_slice %arg2[%dma_start3A_70, %dma_start3A_71] : memref<20480x128xf32, #tpu.memory_space<hbm>> -> memref<20480x128xf32, #tpu.memory_space<hbm>>
      tpu.enqueue_indirect_dma source(%dma_start3A_72 : memref<20480x128xf32, #tpu.memory_space<hbm>>) target(%arg8 : memref<128x128xf32, #tpu.memory_space<vmem>>) offsets(%dma_start3A_69 : memref<128xi32, #tpu.memory_space<vmem>>) semaphore(%arg10 : memref<!tpu.dma_semaphore, #tpu.memory_space<semaphore_mem>>)
      %add3A_73 = arith.constant 1 : i32
      %add3A_74 = arith.addi %mul3A_65, %add3A_73 : i32
      %dma_start3A_75 = arith.constant 0 : i32
      %dma_start3A_76 = tpu.memref_slice %arg6[%add3A_74, %dma_start3A_75] : memref<160x128xi32, #tpu.memory_space<vmem>> -> memref<1x128xi32, #tpu.memory_space<vmem>>
      %dma_start3A_77 = tpu.memref_squeeze %dma_start3A_76 : memref<1x128xi32, #tpu.memory_space<vmem>> -> memref<128xi32, #tpu.memory_space<vmem>>
      %dma_start3A_78 = arith.constant 0 : i32
      %dma_start3A_79 = arith.constant 0 : i32
      %dma_start3A_80 = tpu.memref_slice %arg2[%dma_start3A_78, %dma_start3A_79] : memref<20480x128xf32, #tpu.memory_space<hbm>> -> memref<20480x128xf32, #tpu.memory_space<hbm>>
      tpu.enqueue_indirect_dma source(%dma_start3A_80 : memref<20480x128xf32, #tpu.memory_space<hbm>>) target(%arg9 : memref<128x128xf32, #tpu.memory_space<vmem>>) offsets(%dma_start3A_77 : memref<128xi32, #tpu.memory_space<vmem>>) semaphore(%arg11 : memref<!tpu.dma_semaphore, #tpu.memory_space<semaphore_mem>>)
      %add3A_81 = arith.constant 0 : i32
      %add3A_82 = arith.addi %mul3A_65, %add3A_81 : i32
      %dma_wait3A = arith.constant 0 : i32
      %dma_wait3A_83 = tpu.memref_slice %arg6[%add3A_82, %dma_wait3A] : memref<160x128xi32, #tpu.memory_space<vmem>> -> memref<1x128xi32, #tpu.memory_space<vmem>>
      %dma_wait3A_84 = tpu.memref_squeeze %dma_wait3A_83 : memref<1x128xi32, #tpu.memory_space<vmem>> -> memref<128xi32, #tpu.memory_space<vmem>>
      %dma_wait3A_85 = arith.constant 0 : i32
      %dma_wait3A_86 = arith.constant 0 : i32
      %dma_wait3A_87 = tpu.memref_slice %arg2[%dma_wait3A_85, %dma_wait3A_86] : memref<20480x128xf32, #tpu.memory_space<hbm>> -> memref<20480x128xf32, #tpu.memory_space<hbm>>
      tpu.wait_indirect_dma semaphore(%arg10 : memref<!tpu.dma_semaphore, #tpu.memory_space<semaphore_mem>>) src(%dma_wait3A_87 : memref<20480x128xf32, #tpu.memory_space<hbm>>) dst(%arg8 : memref<128x128xf32, #tpu.memory_space<vmem>>)
      %add3A_88 = arith.constant 0 : i32
      %add3A_89 = arith.addi %mul3A_65, %add3A_88 : i32
      %dma_start3A_90 = arith.constant 0 : i32
      %dma_start3A_91 = tpu.memref_slice %arg7[%add3A_89, %dma_start3A_90] : memref<160x128xi32, #tpu.memory_space<vmem>> -> memref<1x128xi32, #tpu.memory_space<vmem>>
      %dma_start3A_92 = tpu.memref_squeeze %dma_start3A_91 : memref<1x128xi32, #tpu.memory_space<vmem>> -> memref<128xi32, #tpu.memory_space<vmem>>
      %dma_start3A_93 = arith.constant 0 : i32
      %dma_start3A_94 = arith.constant 0 : i32
      %dma_start3A_95 = tpu.memref_slice %arg14[%dma_start3A_93, %dma_start3A_94] : memref<5184x128xf32, #tpu.memory_space<vmem_shared>> -> memref<5184x128xf32, #tpu.memory_space<vmem_shared>>
      tpu.enqueue_indirect_dma source(%arg8 : memref<128x128xf32, #tpu.memory_space<vmem>>) target(%dma_start3A_95 : memref<5184x128xf32, #tpu.memory_space<vmem_shared>>) offsets(%dma_start3A_92 : memref<128xi32, #tpu.memory_space<vmem>>) semaphore(%arg12 : memref<!tpu.dma_semaphore, #tpu.memory_space<semaphore_mem>>) {add = true}
      %add3A_96 = arith.constant 1 : i32
      %add3A_97 = arith.addi %mul3A_65, %add3A_96 : i32
      %dma_wait3A_98 = arith.constant 0 : i32
      %dma_wait3A_99 = tpu.memref_slice %arg6[%add3A_97, %dma_wait3A_98] : memref<160x128xi32, #tpu.memory_space<vmem>> -> memref<1x128xi32, #tpu.memory_space<vmem>>
      %dma_wait3A_100 = tpu.memref_squeeze %dma_wait3A_99 : memref<1x128xi32, #tpu.memory_space<vmem>> -> memref<128xi32, #tpu.memory_space<vmem>>
      %dma_wait3A_101 = arith.constant 0 : i32
      %dma_wait3A_102 = arith.constant 0 : i32
      %dma_wait3A_103 = tpu.memref_slice %arg2[%dma_wait3A_101, %dma_wait3A_102] : memref<20480x128xf32, #tpu.memory_space<hbm>> -> memref<20480x128xf32, #tpu.memory_space<hbm>>
      tpu.wait_indirect_dma semaphore(%arg11 : memref<!tpu.dma_semaphore, #tpu.memory_space<semaphore_mem>>) src(%dma_wait3A_103 : memref<20480x128xf32, #tpu.memory_space<hbm>>) dst(%arg9 : memref<128x128xf32, #tpu.memory_space<vmem>>)
      %add3A_104 = arith.constant 1 : i32
      %add3A_105 = arith.addi %mul3A_65, %add3A_104 : i32
      %dma_start3A_106 = arith.constant 0 : i32
      %dma_start3A_107 = tpu.memref_slice %arg7[%add3A_105, %dma_start3A_106] : memref<160x128xi32, #tpu.memory_space<vmem>> -> memref<1x128xi32, #tpu.memory_space<vmem>>
      %dma_start3A_108 = tpu.memref_squeeze %dma_start3A_107 : memref<1x128xi32, #tpu.memory_space<vmem>> -> memref<128xi32, #tpu.memory_space<vmem>>
      %dma_start3A_109 = arith.constant 0 : i32
      %dma_start3A_110 = arith.constant 0 : i32
      %dma_start3A_111 = tpu.memref_slice %arg14[%dma_start3A_109, %dma_start3A_110] : memref<5184x128xf32, #tpu.memory_space<vmem_shared>> -> memref<5184x128xf32, #tpu.memory_space<vmem_shared>>
      tpu.enqueue_indirect_dma source(%arg9 : memref<128x128xf32, #tpu.memory_space<vmem>>) target(%dma_start3A_111 : memref<5184x128xf32, #tpu.memory_space<vmem_shared>>) offsets(%dma_start3A_108 : memref<128xi32, #tpu.memory_space<vmem>>) semaphore(%arg13 : memref<!tpu.dma_semaphore, #tpu.memory_space<semaphore_mem>>) {add = true}
      %add3A_112 = arith.constant 0 : i32
      %add3A_113 = arith.addi %mul3A_65, %add3A_112 : i32
      %dma_wait3A_114 = arith.constant 0 : i32
      %dma_wait3A_115 = tpu.memref_slice %arg7[%add3A_113, %dma_wait3A_114] : memref<160x128xi32, #tpu.memory_space<vmem>> -> memref<1x128xi32, #tpu.memory_space<vmem>>
      %dma_wait3A_116 = tpu.memref_squeeze %dma_wait3A_115 : memref<1x128xi32, #tpu.memory_space<vmem>> -> memref<128xi32, #tpu.memory_space<vmem>>
      %dma_wait3A_117 = arith.constant 0 : i32
      %dma_wait3A_118 = arith.constant 0 : i32
      %dma_wait3A_119 = tpu.memref_slice %arg14[%dma_wait3A_117, %dma_wait3A_118] : memref<5184x128xf32, #tpu.memory_space<vmem_shared>> -> memref<5184x128xf32, #tpu.memory_space<vmem_shared>>
      tpu.wait_indirect_dma semaphore(%arg12 : memref<!tpu.dma_semaphore, #tpu.memory_space<semaphore_mem>>) src(%arg8 : memref<128x128xf32, #tpu.memory_space<vmem>>) dst(%dma_wait3A_119 : memref<5184x128xf32, #tpu.memory_space<vmem_shared>>)
      %add3A_120 = arith.constant 1 : i32
      %add3A_121 = arith.addi %mul3A_65, %add3A_120 : i32
      %dma_wait3A_122 = arith.constant 0 : i32
      %dma_wait3A_123 = tpu.memref_slice %arg7[%add3A_121, %dma_wait3A_122] : memref<160x128xi32, #tpu.memory_space<vmem>> -> memref<1x128xi32, #tpu.memory_space<vmem>>
      %dma_wait3A_124 = tpu.memref_squeeze %dma_wait3A_123 : memref<1x128xi32, #tpu.memory_space<vmem>> -> memref<128xi32, #tpu.memory_space<vmem>>
      %dma_wait3A_125 = arith.constant 0 : i32
      %dma_wait3A_126 = arith.constant 0 : i32
      %dma_wait3A_127 = tpu.memref_slice %arg14[%dma_wait3A_125, %dma_wait3A_126] : memref<5184x128xf32, #tpu.memory_space<vmem_shared>> -> memref<5184x128xf32, #tpu.memory_space<vmem_shared>>
      tpu.wait_indirect_dma semaphore(%arg13 : memref<!tpu.dma_semaphore, #tpu.memory_space<semaphore_mem>>) src(%arg9 : memref<128x128xf32, #tpu.memory_space<vmem>>) dst(%dma_wait3A_127 : memref<5184x128xf32, #tpu.memory_space<vmem_shared>>)
    }
    %scan3A_51 = arith.constant 80 : i32
    %barrier3A_52 = arith.constant 0 : index
    tpu.barrier barrier_id(%barrier3A_52)
    %mul3A_53 = arith.constant 320 : i32
    %mul3A_54 = arith.muli %arg1, %mul3A_53 : i32
    %mul3A_55 = arith.constant 10240 : i32
    %mul3A_56 = arith.muli %arg0, %mul3A_55 : i32
    %add3A_57 = arith.constant 5120 : i32
    %add3A_58 = arith.addi %mul3A_56, %add3A_57 : i32
    %mul3A_59 = arith.constant 320 : i32
    %mul3A_60 = arith.muli %arg1, %mul3A_59 : i32
    %add3A_61 = arith.addi %add3A_58, %mul3A_60 : i32
    "tpu.region"() ({
      %run_scoped3A = tpu.sem_alloc : memref<!tpu.dma_semaphore, #tpu.memory_space<semaphore_mem>>
      %dma_start3A = arith.constant 0 : i32
      %dma_start3A_63 = tpu.memref_slice %arg5[%add3A_61, %dma_start3A] : memref<20480x128xf32, #tpu.memory_space<hbm>> -> memref<320x128xf32, #tpu.memory_space<hbm>>
      %dma_start3A_64 = arith.constant 0 : i32
      %dma_start3A_65 = tpu.memref_slice %arg14[%mul3A_54, %dma_start3A_64] : memref<5184x128xf32, #tpu.memory_space<vmem_shared>> -> memref<320x128xf32, #tpu.memory_space<vmem_shared>>
      tpu.enqueue_dma source(%dma_start3A_65 : memref<320x128xf32, #tpu.memory_space<vmem_shared>>) target(%dma_start3A_63 : memref<320x128xf32, #tpu.memory_space<hbm>>) target_semaphore(%run_scoped3A : memref<!tpu.dma_semaphore, #tpu.memory_space<semaphore_mem>>)
      %dma_wait3A = arith.constant 0 : i32
      %dma_wait3A_66 = tpu.memref_slice %arg5[%add3A_61, %dma_wait3A] : memref<20480x128xf32, #tpu.memory_space<hbm>> -> memref<320x128xf32, #tpu.memory_space<hbm>>
      %dma_wait3A_67 = arith.constant 0 : i32
      %dma_wait3A_68 = tpu.memref_slice %arg14[%mul3A_54, %dma_wait3A_67] : memref<5184x128xf32, #tpu.memory_space<vmem_shared>> -> memref<320x128xf32, #tpu.memory_space<vmem_shared>>
      tpu.wait_dma2 semaphore(%run_scoped3A : memref<!tpu.dma_semaphore, #tpu.memory_space<semaphore_mem>>) src(%dma_wait3A_68 : memref<320x128xf32, #tpu.memory_space<vmem_shared>>) dst(%dma_wait3A_66 : memref<320x128xf32, #tpu.memory_space<hbm>>)
      tpu.yield
    }) : () -> ()
    %barrier3A_62 = arith.constant 0 : index
    tpu.barrier barrier_id(%barrier3A_62)
    return
  }
}

module attributes {stable_mosaic.version = 14 : i64} {
  func.func @_t1_body(%arg0: i32, %arg1: memref<2x2000x16xf32, #tpu.memory_space<vmem>>, %arg2: memref<2000x128xf32, #tpu.memory_space<vmem>>, %arg3: memref<128x256xf32, #tpu.memory_space<vmem>>, %arg4: memref<2x2000x128xf32, #tpu.memory_space<vmem>>) attributes {dimension_semantics = [#tpu.dimension_semantics<arbitrary>], iteration_bounds = array<i64: 5>, scalar_prefetch = 0 : i64, scratch_operands = 0 : i64, tpu.core_type = #tpu.core_type<tc>, window_params = [{transform_indices = @transform_0, window_bounds = array<i64: 2, 2000, 16>}, {transform_indices = @transform_1, window_bounds = array<i64: 2000, 128>}, {pipeline_mode = #tpu.pipeline_mode<synchronous>, transform_indices = @transform_2, window_bounds = array<i64: 128, 256>}, {transform_indices = @transform_3, window_bounds = array<i64: 2, 2000, 128>}]} {
    %get3A = arith.constant 0 : index
    %get3A_0 = arith.constant 0 : index
    %get3A_1 = arith.constant 0 : index
    %get3A_2 = vector.load %arg1[%get3A, %get3A_0, %get3A_1] : memref<2x2000x16xf32, #tpu.memory_space<vmem>>, vector<1x2000x16xf32>
    %get3A_3 = vector.shape_cast %get3A_2 : vector<1x2000x16xf32> to vector<2000x16xf32>
    %slice3A = vector.extract_strided_slice %get3A_3 {offsets = [0, 0], sizes = [2000, 1], strides = [1, 1]} : vector<2000x16xf32> to vector<2000x1xf32>
    %get3A_4 = arith.constant 1 : index
    %get3A_5 = arith.constant 0 : index
    %get3A_6 = arith.constant 0 : index
    %get3A_7 = vector.load %arg1[%get3A_4, %get3A_5, %get3A_6] : memref<2x2000x16xf32, #tpu.memory_space<vmem>>, vector<1x2000x16xf32>
    %get3A_8 = vector.shape_cast %get3A_7 : vector<1x2000x16xf32> to vector<2000x16xf32>
    %slice3A_9 = vector.extract_strided_slice %get3A_8 {offsets = [0, 0], sizes = [2000, 1], strides = [1, 1]} : vector<2000x16xf32> to vector<2000x1xf32>
    %add3A = arith.addf %slice3A, %slice3A_9 : vector<2000x1xf32>
    %add3A_10 = arith.constant 1.000000e+00 : f32
    %add3A_11 = vector.broadcast %add3A_10 : f32 to vector<2000x1xf32>
    %add3A_12 = arith.addf %add3A, %add3A_11 : vector<2000x1xf32>
    %rsqrt3A = math.rsqrt %add3A_12 : vector<2000x1xf32>
    %get3A_13 = arith.constant 0 : index
    %get3A_14 = arith.constant 0 : index
    %get3A_15 = vector.load %arg2[%get3A_13, %get3A_14] : memref<2000x128xf32, #tpu.memory_space<vmem>>, vector<2000x128xf32>
    %get3A_16 = arith.constant 0 : index
    %get3A_17 = arith.constant 0 : index
    %get3A_18 = vector.load %arg3[%get3A_16, %get3A_17] : memref<128x256xf32, #tpu.memory_space<vmem>>, vector<128x256xf32>
    %dot_general3A = arith.constant dense<0.000000e+00> : vector<2000x256xf32>
    %dot_general3A_19 = tpu.matmul %get3A_15, %get3A_18, %dot_general3A {dimension_numbers = #tpu.dot_dimension_numbers<[1], [0], [0], [1], [0, 0, 1, 1], [], []>, transpose_lhs_hint = false} : vector<2000x128xf32>, vector<128x256xf32>, vector<2000x256xf32> -> vector<2000x256xf32>
    %mul3A = vector.broadcast %rsqrt3A : vector<2000x1xf32> to vector<2000x256xf32>
    %mul3A_20 = arith.mulf %dot_general3A_19, %mul3A : vector<2000x256xf32>
    %slice3A_21 = vector.extract_strided_slice %mul3A_20 {offsets = [0, 0], sizes = [2000, 128], strides = [1, 1]} : vector<2000x256xf32> to vector<2000x128xf32>
    %swap3A = arith.constant 0 : index
    %swap3A_22 = arith.constant 0 : index
    %swap3A_23 = arith.constant 0 : index
    %swap3A_24 = vector.load %arg4[%swap3A, %swap3A_22, %swap3A_23] : memref<2x2000x128xf32, #tpu.memory_space<vmem>>, vector<1x2000x128xf32>
    %swap3A_25 = vector.shape_cast %swap3A_24 : vector<1x2000x128xf32> to vector<2000x128xf32>
    %swap3A_26 = vector.shape_cast %slice3A_21 : vector<2000x128xf32> to vector<1x2000x128xf32>
    tpu.vector_store %arg4[%swap3A, %swap3A_22, %swap3A_23], %swap3A_26 {strides = array<i32>} : memref<2x2000x128xf32, #tpu.memory_space<vmem>>, vector<1x2000x128xf32>,
    %slice3A_27 = vector.extract_strided_slice %mul3A_20 {offsets = [0, 128], sizes = [2000, 128], strides = [1, 1]} : vector<2000x256xf32> to vector<2000x128xf32>
    %swap3A_28 = arith.constant 1 : index
    %swap3A_29 = arith.constant 0 : index
    %swap3A_30 = arith.constant 0 : index
    %swap3A_31 = vector.load %arg4[%swap3A_28, %swap3A_29, %swap3A_30] : memref<2x2000x128xf32, #tpu.memory_space<vmem>>, vector<1x2000x128xf32>
    %swap3A_32 = vector.shape_cast %swap3A_31 : vector<1x2000x128xf32> to vector<2000x128xf32>
    %swap3A_33 = vector.shape_cast %slice3A_27 : vector<2000x128xf32> to vector<1x2000x128xf32>
    tpu.vector_store %arg4[%swap3A_28, %swap3A_29, %swap3A_30], %swap3A_33 {strides = array<i32>} : memref<2x2000x128xf32, #tpu.memory_space<vmem>>, vector<1x2000x128xf32>,
    return
  }
  func.func @transform_0(%arg0: i32) -> (i32, i32, i32) {
    %c0_i32 = arith.constant 0 : i32
    %c0_i32_0 = arith.constant 0 : i32
    %c0_i32_1 = arith.constant 0 : i32
    return %c0_i32, %arg0, %c0_i32_0 : i32, i32, i32
  }
  func.func @transform_1(%arg0: i32) -> (i32, i32) {
    %c0_i32 = arith.constant 0 : i32
    %c0_i32_0 = arith.constant 0 : i32
    return %arg0, %c0_i32 : i32, i32
  }
  func.func @transform_2(%arg0: i32) -> (i32, i32) {
    %c0_i32 = arith.constant 0 : i32
    %c0_i32_0 = arith.constant 0 : i32
    %c0_i32_1 = arith.constant 0 : i32
    return %c0_i32, %c0_i32_0 : i32, i32
  }
  func.func @transform_3(%arg0: i32) -> (i32, i32, i32) {
    %c0_i32 = arith.constant 0 : i32
    %c0_i32_0 = arith.constant 0 : i32
    %c0_i32_1 = arith.constant 0 : i32
    return %c0_i32, %arg0, %c0_i32_0 : i32, i32, i32
  }
}

module attributes {stable_mosaic.version = 14 : i64} {
  func.func @_t2_body(%arg0: i32, %arg1: memref<2x2000x16xf32, #tpu.memory_space<vmem>>, %arg2: memref<2x2000x128xf32, #tpu.memory_space<vmem>>, %arg3: memref<1x256xf32, #tpu.memory_space<vmem>>, %arg4: memref<256x256xf32, #tpu.memory_space<vmem>>, %arg5: memref<2x2000x128xf32, #tpu.memory_space<vmem>>) attributes {dimension_semantics = [#tpu.dimension_semantics<arbitrary>], iteration_bounds = array<i64: 5>, scalar_prefetch = 0 : i64, scratch_operands = 0 : i64, tpu.core_type = #tpu.core_type<tc>, window_params = [{transform_indices = @transform_0, window_bounds = array<i64: 2, 2000, 16>}, {transform_indices = @transform_1, window_bounds = array<i64: 2, 2000, 128>}, {pipeline_mode = #tpu.pipeline_mode<synchronous>, transform_indices = @transform_2, window_bounds = array<i64: 1, 256>}, {pipeline_mode = #tpu.pipeline_mode<synchronous>, transform_indices = @transform_3, window_bounds = array<i64: 256, 256>}, {transform_indices = @transform_4, window_bounds = array<i64: 2, 2000, 128>}]} {
    %get3A = arith.constant 0 : index
    %get3A_0 = arith.constant 0 : index
    %get3A_1 = arith.constant 0 : index
    %get3A_2 = vector.load %arg1[%get3A, %get3A_0, %get3A_1] : memref<2x2000x16xf32, #tpu.memory_space<vmem>>, vector<1x2000x16xf32>
    %get3A_3 = vector.shape_cast %get3A_2 : vector<1x2000x16xf32> to vector<2000x16xf32>
    %slice3A = vector.extract_strided_slice %get3A_3 {offsets = [0, 0], sizes = [2000, 1], strides = [1, 1]} : vector<2000x16xf32> to vector<2000x1xf32>
    %get3A_4 = arith.constant 1 : index
    %get3A_5 = arith.constant 0 : index
    %get3A_6 = arith.constant 0 : index
    %get3A_7 = vector.load %arg1[%get3A_4, %get3A_5, %get3A_6] : memref<2x2000x16xf32, #tpu.memory_space<vmem>>, vector<1x2000x16xf32>
    %get3A_8 = vector.shape_cast %get3A_7 : vector<1x2000x16xf32> to vector<2000x16xf32>
    %slice3A_9 = vector.extract_strided_slice %get3A_8 {offsets = [0, 0], sizes = [2000, 1], strides = [1, 1]} : vector<2000x16xf32> to vector<2000x1xf32>
    %add3A = arith.addf %slice3A, %slice3A_9 : vector<2000x1xf32>
    %add3A_10 = arith.constant 1.000000e+00 : f32
    %add3A_11 = vector.broadcast %add3A_10 : f32 to vector<2000x1xf32>
    %add3A_12 = arith.addf %add3A, %add3A_11 : vector<2000x1xf32>
    %rsqrt3A = math.rsqrt %add3A_12 : vector<2000x1xf32>
    %get3A_13 = arith.constant 0 : index
    %get3A_14 = arith.constant 0 : index
    %get3A_15 = arith.constant 0 : index
    %get3A_16 = vector.load %arg2[%get3A_13, %get3A_14, %get3A_15] : memref<2x2000x128xf32, #tpu.memory_space<vmem>>, vector<1x2000x128xf32>
    %get3A_17 = vector.shape_cast %get3A_16 : vector<1x2000x128xf32> to vector<2000x128xf32>
    %get3A_18 = arith.constant 1 : index
    %get3A_19 = arith.constant 0 : index
    %get3A_20 = arith.constant 0 : index
    %get3A_21 = vector.load %arg2[%get3A_18, %get3A_19, %get3A_20] : memref<2x2000x128xf32, #tpu.memory_space<vmem>>, vector<1x2000x128xf32>
    %get3A_22 = vector.shape_cast %get3A_21 : vector<1x2000x128xf32> to vector<2000x128xf32>
    %concatenate3A = tpu.concatenate %get3A_17, %get3A_22 in 1 : vector<2000x128xf32>, vector<2000x128xf32> -> vector<2000x256xf32>
    %mul3A = vector.broadcast %rsqrt3A : vector<2000x1xf32> to vector<2000x256xf32>
    %mul3A_23 = arith.mulf %concatenate3A, %mul3A : vector<2000x256xf32>
    %get3A_24 = arith.constant 0 : index
    %get3A_25 = arith.constant 0 : index
    %get3A_26 = vector.load %arg3[%get3A_24, %get3A_25] : memref<1x256xf32, #tpu.memory_space<vmem>>, vector<1x256xf32>
    %add3A_27 = vector.broadcast %get3A_26 : vector<1x256xf32> to vector<2000x256xf32>
    %add3A_28 = arith.addf %mul3A_23, %add3A_27 : vector<2000x256xf32>
    %max3A = arith.constant 0.000000e+00 : f32
    %max3A_29 = vector.broadcast %max3A : f32 to vector<2000x256xf32>
    %max3A_30 = arith.maximumf %add3A_28, %max3A_29 : vector<2000x256xf32>
    %get3A_31 = arith.constant 0 : index
    %get3A_32 = arith.constant 0 : index
    %get3A_33 = vector.load %arg4[%get3A_31, %get3A_32] : memref<256x256xf32, #tpu.memory_space<vmem>>, vector<256x256xf32>
    %dot_general3A = arith.constant dense<0.000000e+00> : vector<2000x256xf32>
    %dot_general3A_34 = tpu.matmul %max3A_30, %get3A_33, %dot_general3A {dimension_numbers = #tpu.dot_dimension_numbers<[1], [0], [0], [1], [0, 0, 1, 1], [], []>, transpose_lhs_hint = false} : vector<2000x256xf32>, vector<256x256xf32>, vector<2000x256xf32> -> vector<2000x256xf32>
    %mul3A_35 = vector.broadcast %rsqrt3A : vector<2000x1xf32> to vector<2000x256xf32>
    %mul3A_36 = arith.mulf %dot_general3A_34, %mul3A_35 : vector<2000x256xf32>
    %slice3A_37 = vector.extract_strided_slice %mul3A_36 {offsets = [0, 0], sizes = [2000, 128], strides = [1, 1]} : vector<2000x256xf32> to vector<2000x128xf32>
    %swap3A = arith.constant 0 : index
    %swap3A_38 = arith.constant 0 : index
    %swap3A_39 = arith.constant 0 : index
    %swap3A_40 = vector.load %arg5[%swap3A, %swap3A_38, %swap3A_39] : memref<2x2000x128xf32, #tpu.memory_space<vmem>>, vector<1x2000x128xf32>
    %swap3A_41 = vector.shape_cast %swap3A_40 : vector<1x2000x128xf32> to vector<2000x128xf32>
    %swap3A_42 = vector.shape_cast %slice3A_37 : vector<2000x128xf32> to vector<1x2000x128xf32>
    tpu.vector_store %arg5[%swap3A, %swap3A_38, %swap3A_39], %swap3A_42 {strides = array<i32>} : memref<2x2000x128xf32, #tpu.memory_space<vmem>>, vector<1x2000x128xf32>,
    %slice3A_43 = vector.extract_strided_slice %mul3A_36 {offsets = [0, 128], sizes = [2000, 128], strides = [1, 1]} : vector<2000x256xf32> to vector<2000x128xf32>
    %swap3A_44 = arith.constant 1 : index
    %swap3A_45 = arith.constant 0 : index
    %swap3A_46 = arith.constant 0 : index
    %swap3A_47 = vector.load %arg5[%swap3A_44, %swap3A_45, %swap3A_46] : memref<2x2000x128xf32, #tpu.memory_space<vmem>>, vector<1x2000x128xf32>
    %swap3A_48 = vector.shape_cast %swap3A_47 : vector<1x2000x128xf32> to vector<2000x128xf32>
    %swap3A_49 = vector.shape_cast %slice3A_43 : vector<2000x128xf32> to vector<1x2000x128xf32>
    tpu.vector_store %arg5[%swap3A_44, %swap3A_45, %swap3A_46], %swap3A_49 {strides = array<i32>} : memref<2x2000x128xf32, #tpu.memory_space<vmem>>, vector<1x2000x128xf32>,
    return
  }
  func.func @transform_0(%arg0: i32) -> (i32, i32, i32) {
    %c0_i32 = arith.constant 0 : i32
    %c0_i32_0 = arith.constant 0 : i32
    %c0_i32_1 = arith.constant 0 : i32
    return %c0_i32, %arg0, %c0_i32_0 : i32, i32, i32
  }
  func.func @transform_1(%arg0: i32) -> (i32, i32, i32) {
    %c0_i32 = arith.constant 0 : i32
    %c0_i32_0 = arith.constant 0 : i32
    %c0_i32_1 = arith.constant 0 : i32
    return %c0_i32, %arg0, %c0_i32_0 : i32, i32, i32
  }
  func.func @transform_2(%arg0: i32) -> (i32, i32) {
    %c0_i32 = arith.constant 0 : i32
    %c0_i32_0 = arith.constant 0 : i32
    %c0_i32_1 = arith.constant 0 : i32
    return %c0_i32, %c0_i32_0 : i32, i32
  }
  func.func @transform_3(%arg0: i32) -> (i32, i32) {
    %c0_i32 = arith.constant 0 : i32
    %c0_i32_0 = arith.constant 0 : i32
    %c0_i32_1 = arith.constant 0 : i32
    return %c0_i32, %c0_i32_0 : i32, i32
  }
  func.func @transform_4(%arg0: i32) -> (i32, i32, i32) {
    %c0_i32 = arith.constant 0 : i32
    %c0_i32_0 = arith.constant 0 : i32
    %c0_i32_1 = arith.constant 0 : i32
    return %c0_i32, %arg0, %c0_i32_0 : i32, i32, i32
  }
}

module attributes {stable_mosaic.version = 14 : i64} {
  func.func @_t3_body(%arg0: i32, %arg1: memref<2x2000x16xf32, #tpu.memory_space<vmem>>, %arg2: memref<2x2000x128xf32, #tpu.memory_space<vmem>>, %arg3: memref<1x256xf32, #tpu.memory_space<vmem>>, %arg4: memref<256x64xf32, #tpu.memory_space<vmem>>, %arg5: memref<1x64xf32, #tpu.memory_space<vmem>>, %arg6: memref<2000x64xf32, #tpu.memory_space<vmem>>) attributes {dimension_semantics = [#tpu.dimension_semantics<arbitrary>], iteration_bounds = array<i64: 5>, scalar_prefetch = 0 : i64, scratch_operands = 0 : i64, tpu.core_type = #tpu.core_type<tc>, window_params = [{transform_indices = @transform_0, window_bounds = array<i64: 2, 2000, 16>}, {transform_indices = @transform_1, window_bounds = array<i64: 2, 2000, 128>}, {pipeline_mode = #tpu.pipeline_mode<synchronous>, transform_indices = @transform_2, window_bounds = array<i64: 1, 256>}, {pipeline_mode = #tpu.pipeline_mode<synchronous>, transform_indices = @transform_3, window_bounds = array<i64: 256, 64>}, {pipeline_mode = #tpu.pipeline_mode<synchronous>, transform_indices = @transform_4, window_bounds = array<i64: 1, 64>}, {transform_indices = @transform_5, window_bounds = array<i64: 2000, 64>}]} {
    %get3A = arith.constant 0 : index
    %get3A_0 = arith.constant 0 : index
    %get3A_1 = arith.constant 0 : index
    %get3A_2 = vector.load %arg1[%get3A, %get3A_0, %get3A_1] : memref<2x2000x16xf32, #tpu.memory_space<vmem>>, vector<1x2000x16xf32>
    %get3A_3 = vector.shape_cast %get3A_2 : vector<1x2000x16xf32> to vector<2000x16xf32>
    %slice3A = vector.extract_strided_slice %get3A_3 {offsets = [0, 0], sizes = [2000, 1], strides = [1, 1]} : vector<2000x16xf32> to vector<2000x1xf32>
    %get3A_4 = arith.constant 1 : index
    %get3A_5 = arith.constant 0 : index
    %get3A_6 = arith.constant 0 : index
    %get3A_7 = vector.load %arg1[%get3A_4, %get3A_5, %get3A_6] : memref<2x2000x16xf32, #tpu.memory_space<vmem>>, vector<1x2000x16xf32>
    %get3A_8 = vector.shape_cast %get3A_7 : vector<1x2000x16xf32> to vector<2000x16xf32>
    %slice3A_9 = vector.extract_strided_slice %get3A_8 {offsets = [0, 0], sizes = [2000, 1], strides = [1, 1]} : vector<2000x16xf32> to vector<2000x1xf32>
    %add3A = arith.addf %slice3A, %slice3A_9 : vector<2000x1xf32>
    %add3A_10 = arith.constant 1.000000e+00 : f32
    %add3A_11 = vector.broadcast %add3A_10 : f32 to vector<2000x1xf32>
    %add3A_12 = arith.addf %add3A, %add3A_11 : vector<2000x1xf32>
    %rsqrt3A = math.rsqrt %add3A_12 : vector<2000x1xf32>
    %get3A_13 = arith.constant 0 : index
    %get3A_14 = arith.constant 0 : index
    %get3A_15 = arith.constant 0 : index
    %get3A_16 = vector.load %arg2[%get3A_13, %get3A_14, %get3A_15] : memref<2x2000x128xf32, #tpu.memory_space<vmem>>, vector<1x2000x128xf32>
    %get3A_17 = vector.shape_cast %get3A_16 : vector<1x2000x128xf32> to vector<2000x128xf32>
    %get3A_18 = arith.constant 1 : index
    %get3A_19 = arith.constant 0 : index
    %get3A_20 = arith.constant 0 : index
    %get3A_21 = vector.load %arg2[%get3A_18, %get3A_19, %get3A_20] : memref<2x2000x128xf32, #tpu.memory_space<vmem>>, vector<1x2000x128xf32>
    %get3A_22 = vector.shape_cast %get3A_21 : vector<1x2000x128xf32> to vector<2000x128xf32>
    %concatenate3A = tpu.concatenate %get3A_17, %get3A_22 in 1 : vector<2000x128xf32>, vector<2000x128xf32> -> vector<2000x256xf32>
    %mul3A = vector.broadcast %rsqrt3A : vector<2000x1xf32> to vector<2000x256xf32>
    %mul3A_23 = arith.mulf %concatenate3A, %mul3A : vector<2000x256xf32>
    %get3A_24 = arith.constant 0 : index
    %get3A_25 = arith.constant 0 : index
    %get3A_26 = vector.load %arg3[%get3A_24, %get3A_25] : memref<1x256xf32, #tpu.memory_space<vmem>>, vector<1x256xf32>
    %add3A_27 = vector.broadcast %get3A_26 : vector<1x256xf32> to vector<2000x256xf32>
    %add3A_28 = arith.addf %mul3A_23, %add3A_27 : vector<2000x256xf32>
    %max3A = arith.constant 0.000000e+00 : f32
    %max3A_29 = vector.broadcast %max3A : f32 to vector<2000x256xf32>
    %max3A_30 = arith.maximumf %add3A_28, %max3A_29 : vector<2000x256xf32>
    %get3A_31 = arith.constant 0 : index
    %get3A_32 = arith.constant 0 : index
    %get3A_33 = vector.load %arg4[%get3A_31, %get3A_32] : memref<256x64xf32, #tpu.memory_space<vmem>>, vector<256x64xf32>
    %dot_general3A = arith.constant dense<0.000000e+00> : vector<2000x64xf32>
    %dot_general3A_34 = tpu.matmul %max3A_30, %get3A_33, %dot_general3A {dimension_numbers = #tpu.dot_dimension_numbers<[1], [0], [0], [1], [0, 0, 1, 1], [], []>, transpose_lhs_hint = false} : vector<2000x256xf32>, vector<256x64xf32>, vector<2000x64xf32> -> vector<2000x64xf32>
    %get3A_35 = arith.constant 0 : index
    %get3A_36 = arith.constant 0 : index
    %get3A_37 = vector.load %arg5[%get3A_35, %get3A_36] : memref<1x64xf32, #tpu.memory_space<vmem>>, vector<1x64xf32>
    %add3A_38 = vector.broadcast %get3A_37 : vector<1x64xf32> to vector<2000x64xf32>
    %add3A_39 = arith.addf %dot_general3A_34, %add3A_38 : vector<2000x64xf32>
    %reduce_max3A = arith.constant dense<0xFF800000> : vector<2000xf32>
    %reduce_max3A_40 = vector.multi_reduction <maximumf>, %add3A_39, %reduce_max3A [1] : vector<2000x64xf32> to vector<2000xf32>
    %broadcast_in_dim3A = vector.shape_cast %reduce_max3A_40 : vector<2000xf32> to vector<2000x1xf32>
    %sub3A = vector.broadcast %broadcast_in_dim3A : vector<2000x1xf32> to vector<2000x64xf32>
    %sub3A_41 = arith.subf %add3A_39, %sub3A : vector<2000x64xf32>
    %exp3A = math.exp %sub3A_41 : vector<2000x64xf32>
    %reduce_sum3A = arith.constant dense<0.000000e+00> : vector<2000xf32>
    %reduce_sum3A_42 = vector.multi_reduction <add>, %exp3A, %reduce_sum3A [1] : vector<2000x64xf32> to vector<2000xf32>
    %broadcast_in_dim3A_43 = vector.shape_cast %reduce_sum3A_42 : vector<2000xf32> to vector<2000x1xf32>
    %log3A = math.log %broadcast_in_dim3A_43 : vector<2000x1xf32>
    %sub3A_44 = vector.broadcast %broadcast_in_dim3A : vector<2000x1xf32> to vector<2000x64xf32>
    %sub3A_45 = arith.subf %add3A_39, %sub3A_44 : vector<2000x64xf32>
    %sub3A_46 = vector.broadcast %log3A : vector<2000x1xf32> to vector<2000x64xf32>
    %sub3A_47 = arith.subf %sub3A_45, %sub3A_46 : vector<2000x64xf32>
    %swap3A = arith.constant 0 : index
    %swap3A_48 = arith.constant 0 : index
    %swap3A_49 = vector.load %arg6[%swap3A, %swap3A_48] : memref<2000x64xf32, #tpu.memory_space<vmem>>, vector<2000x64xf32>
    tpu.vector_store %arg6[%swap3A, %swap3A_48], %sub3A_47 {strides = array<i32>} : memref<2000x64xf32, #tpu.memory_space<vmem>>, vector<2000x64xf32>,
    return
  }
  func.func @transform_0(%arg0: i32) -> (i32, i32, i32) {
    %c0_i32 = arith.constant 0 : i32
    %c0_i32_0 = arith.constant 0 : i32
    %c0_i32_1 = arith.constant 0 : i32
    return %c0_i32, %arg0, %c0_i32_0 : i32, i32, i32
  }
  func.func @transform_1(%arg0: i32) -> (i32, i32, i32) {
    %c0_i32 = arith.constant 0 : i32
    %c0_i32_0 = arith.constant 0 : i32
    %c0_i32_1 = arith.constant 0 : i32
    return %c0_i32, %arg0, %c0_i32_0 : i32, i32, i32
  }
  func.func @transform_2(%arg0: i32) -> (i32, i32) {
    %c0_i32 = arith.constant 0 : i32
    %c0_i32_0 = arith.constant 0 : i32
    %c0_i32_1 = arith.constant 0 : i32
    return %c0_i32, %c0_i32_0 : i32, i32
  }
  func.func @transform_3(%arg0: i32) -> (i32, i32) {
    %c0_i32 = arith.constant 0 : i32
    %c0_i32_0 = arith.constant 0 : i32
    %c0_i32_1 = arith.constant 0 : i32
    return %c0_i32, %c0_i32_0 : i32, i32
  }
  func.func @transform_4(%arg0: i32) -> (i32, i32) {
    %c0_i32 = arith.constant 0 : i32
    %c0_i32_0 = arith.constant 0 : i32
    %c0_i32_1 = arith.constant 0 : i32
    return %c0_i32, %c0_i32_0 : i32, i32
  }
  func.func @transform_5(%arg0: i32) -> (i32, i32) {
    %c0_i32 = arith.constant 0 : i32
    %c0_i32_0 = arith.constant 0 : i32
    return %arg0, %c0_i32 : i32, i32
  }
}

</mosaic_0001>

<sc_bundles>
// kernel: kernel.11.cloned.1.call-start
scs
__scs_entry_jumppad:
0x0: {  	(pc) =	sbr.rel $0x88, $3  }
0x1: {  	(tag) =	ssettag $0x0;
	lr =	simm.s32 $0x1  }
0x2: {  	[smem:$0x3F99] =	sst lr;
	_ =	strace $0xD0000000  }
0x3: {  	_ = 	snop  }
0x4: {  	_ = 	snop  }
0x5: {  	_ = 	snop  }
0x6: {  	_ = 	snop  }
0x7: {  	_ = 	snop  }
__scs_overlays_trampoline_lowered:
0x8: {  	[smem:$0x3FA8] =	sst s0  }
0x9: {  	[smem:$0x3FA9] =	sst s1  }
0xa: {  	[smem:$0x3FAA] =	sst s2  }
0xb: {  	[smem:$0x3FAB] =	sst s3  }
0xc: {  	[smem:$0x3FAC] =	sst s4  }
0xd: {  	[smem:$0x3FAD] =	sst s5  }
0xe: {  	[smem:$0x3FAE] =	sst s6  }
0xf: {  	[smem:$0x3FAF] =	sst s7  }
0x10: {  	[smem:$0x3FB0] =	sst s8  }
0x11: {  	[smem:$0x3FB1] =	sst s9;
	s0 =	simm.s32 @!p0 $0x0  }
0x12: {  	s1 =	sld [smem:$0x3F97];
	s0 =	simm.s32 @p0 $0x1  }
0x13: {  	[smem:$0x3FB2] =	sst s0;
	s0 =	simm.s32 @!p1 $0x0  }
0x14: {  	s2 =	sld [smem:$0x3F96];
	s0 =	simm.s32 @p1 $0x1  }
0x15: {  	[smem:$0x3FB3] =	sst s0;
	s0 =	simm.s32 @!p2 $0x0  }
0x16: {  	s3 =	sld [smem:$0x3FDB];
	s0 =	simm.s32 @p2 $0x1  }
0x17: {  	s4 =	simm.s32 $0x1BF5;
	[smem:$0x3FB5] =	sst s0  }
0x18: {  	s0 =	sld [smem:$0x3F98];
	_ =	swait.ge [sflag:s4], $0x0  }
0x19: {  	s7 =	sld [smem:$0x3F99]  }
0x1a: {  	s8 =	sadd.s32 $0xFFFFE003, lr  }
0x1b: {  	s9 =	sadd.s32 $0xFFFFFEF7, lr;
	s5 =	simm.s32 $0xFFFFFFFF;
	p2 =	slt.u32 s8, $0xFFFFF086  }
0x1c: {  	p1 =	slt.u32 s9, $0xF7A;
	s5 =	simm.s32 @!p2 $0x0  }
0x1d: {  	s5 =	simm.s32 @p1 $0x1;
	p0 =	seq.s32 s7, s2  }
0x1e: {  	s7 =	smul.u32 @!p0 $0xF7A, s2;
	p2 =	seq.s32 @!p0 s5, $0x0  }
0x1f: {  	s9 =	smul.u32 $0xF7A, s1;
	s8 =	simm.s32 @!p0 $0x1BF5;
	p2 =	por !p2, p0  }
0x20: {  	[sflag:s8] =	ssyncset.s32 @!p0 $0xFFFFF086;
	s6 =	sadd.s32 @!p0 s3, s7;
	s7 =	simm.s32 @!p0 $0x108  }
0x21: {  	s3 =	sadd.s32 s3, s9;
	s6 =	sadd.s32 @!p0 $0x88, s6;
	s7 =	simm.s32 @p2 $0x1082  }
0x22: {  	[simem:s7], [sflag:s8] =	dma.local @!p0 [hbm:s6], $0xF7A  }
0x23: {  	s9 =	sor.u32 $0xD0000000, s2;
	s6 =	simm.s32 $0x108;
	_ =	swait.ge @!p0 [sflag:s8], $0x0  }
0x24: {  	s3 =	sadd.s32 $0x88, s3;
	s6 =	simm.s32 @!p1 $0x1082;
	[sflag:s4] =	ssyncset.s32 $0xFFFFF086  }
0x25: {  	[simem:s6], [sflag:s4] =	dma.local [hbm:s3], $0xF7A  }
0x26: {  	[smem:$0x3F99] =	sst s1;
	(tag) =	ssettag s2;
	_ =	strace s9  }
0x27: {  	s1 =	sld [smem:$0x3FA9]  }
0x28: {  	s2 =	sld [smem:$0x3FAA]  }
0x29: {  	s4 =	sld [smem:$0x3FAC]  }
0x2a: {  	p0 =	seq.s32 s5, $0x0;
	s5 =	sld [smem:$0x3FAD]  }
0x2b: {  	s6 =	sld [smem:$0x3FAE]  }
0x2c: {  	s7 =	sld [smem:$0x3FAF]  }
0x2d: {  	s3 =	simm.s32 $0x108;
	s8 =	sld [smem:$0x3FB0]  }
0x2e: {  	s3 =	simm.s32 @!p0 $0x1082;
	s9 =	sld [smem:$0x3FB1]  }
0x2f: {  	lr =	sadd.s32 s0, s3;
	s0 =	sld [smem:$0x3FA8]  }
0x30: {  	s3 =	sld [smem:$0x3FAB]  }
0x31: {  	[smem:$0x3FB4] =	sst s10  }
0x32: {  	s10 =	sld [smem:$0x3FB2];
	_ =	sdelay $0x3  }
0x33: {  	p0 =	seq.s32 s10, $0x1;
	s10 =	sld [smem:$0x3FB4];
	_ =	sdelay $0x3  }
0x34: {  	[smem:$0x3FB4] =	sst s10  }
0x35: {  	s10 =	sld [smem:$0x3FB3];
	_ =	sdelay $0x3  }
0x36: {  	p1 =	seq.s32 s10, $0x1;
	s10 =	sld [smem:$0x3FB4];
	_ =	sdelay $0x3  }
0x37: {  	[smem:$0x3FB4] =	sst s10  }
0x38: {  	s10 =	sld [smem:$0x3FB5]  }
0x39: {  	_ = 	snop;
	(pc) =	sbr.ind lr, $3  }
0x3a: {  	_ = 	snop  }
0x3b: {  	_ = 	snop  }
0x3c: {  	p2 =	seq.s32 s10, $0x1;
	s10 =	sld [smem:$0x3FB4]  }
0x3d: {  	_ =	shalt  }
0x3e: {  	_ =	shalt  }
0x3f: {  	_ =	shalt  }
0x40: {  	_ =	shalt  }
0x41: {  	_ =	shalt  }
0x42: {  	_ =	shalt  }
0x43: {  	_ =	shalt  }
0x44: {  	_ =	shalt  }
0x45: {  	_ =	shalt  }
0x46: {  	_ =	shalt  }
0x47: {  	_ =	shalt  }
0x48: {  	_ =	shalt  }
0x49: {  	_ =	shalt  }
0x4a: {  	_ =	shalt  }
0x4b: {  	_ =	shalt  }
0x4c: {  	_ =	shalt  }
0x4d: {  	_ =	shalt  }
0x4e: {  	_ =	shalt  }
0x4f: {  	_ =	shalt  }
0x50: {  	_ =	shalt  }
0x51: {  	_ =	shalt  }
0x52: {  	_ =	shalt  }
0x53: {  	_ =	shalt  }
0x54: {  	_ =	shalt  }
0x55: {  	_ =	shalt  }
0x56: {  	_ =	shalt  }
0x57: {  	_ =	shalt  }
0x58: {  	_ =	shalt  }
0x59: {  	_ =	shalt  }
0x5a: {  	_ =	shalt  }
0x5b: {  	_ =	shalt  }
0x5c: {  	_ =	shalt  }
0x5d: {  	_ =	shalt  }
0x5e: {  	_ =	shalt  }
0x5f: {  	_ =	shalt  }
0x60: {  	_ =	shalt  }
0x61: {  	_ =	shalt  }
0x62: {  	_ =	shalt  }
0x63: {  	_ =	shalt  }
0x64: {  	_ =	shalt  }
0x65: {  	_ =	shalt  }
0x66: {  	_ =	shalt  }
0x67: {  	_ =	shalt  }
0x68: {  	_ =	shalt  }
0x69: {  	_ =	shalt  }
0x6a: {  	_ =	shalt  }
0x6b: {  	_ =	shalt  }
0x6c: {  	_ =	shalt  }
0x6d: {  	_ =	shalt  }
0x6e: {  	_ =	shalt  }
0x6f: {  	_ =	shalt  }
0x70: {  	_ =	shalt  }
0x71: {  	_ =	shalt  }
0x72: {  	_ =	shalt  }
0x73: {  	_ =	shalt  }
0x74: {  	_ =	shalt  }
0x75: {  	_ =	shalt  }
0x76: {  	_ =	shalt  }
0x77: {  	_ =	shalt  }
0x78: {  	_ =	shalt  }
0x79: {  	_ =	shalt  }
0x7a: {  	_ =	shalt  }
0x7b: {  	_ =	shalt  }
0x7c: {  	_ =	shalt  }
0x7d: {  	_ =	shalt  }
0x7e: {  	_ =	shalt  }
0x7f: {  	_ =	shalt  }
0x80: {  	_ =	shalt  }
0x81: {  	_ =	shalt  }
0x82: {  	_ =	shalt  }
0x83: {  	_ =	shalt  }
0x84: {  	_ =	shalt  }
0x85: {  	_ =	shalt  }
0x86: {  	_ =	shalt  }
0x87: {  	_ =	shalt  }
.Lfunc_end0:
.L_simem_size_0:
called_computation.1_lowered:
.L_overlay_start_0:
0x88: {  	s2 =	sld [smem:$0x3FD9]  }
0x89: {  	s3 =	sld [smem:$0x3FFE];
	_ =	sdelay $0x1  }
0x8a: {  	s1 =	srdreg.scid  }
0x8b: {  	s0 =	sand.u32 $0x1, s1  }
0x8c: {  	s16 =	sshll.u32 s0, $0xA;
	s2 =	sadd.s32 s3, s2  }
0x8d: {  	s2 =	sadd.s32 s2, s16  }
0x8e: {  	[smem:$0x3FC0] =	sst s2  }
0x8f: {  	_ = 	snop  }
0x90: {  	(tm) =	ssettm $0x1  }
0x91: {  	s17 =	sld [smem:$0x3FFB];
	_ =	sdelay $0x3  }
0x92: {  	_ =	strace s17  }
0x93: {  	s2 =	sld [smem:$0x3FFC];
	_ =	sdelay $0x3  }
0x94: {  	_ =	strace s2  }
0x95: {  	s2 =	sld [smem:$0x3FFD];
	_ =	sdelay $0x3  }
0x96: {  	_ =	strace s2  }
0x97: {  	_ =	strace $0x8FFFFFFF  }
0x98: {  	s18 =	sld [smem:$0x3FDB];
	_ =	sdelay $0x1  }
0x99: {  	s19 =	simm.s32 $_scs_section_size  }
0x9a: {  	s4 =	simm.s32 $_size__tile_overlayer_lowered;
	s5 =	simm.s32 $_tile_overlayer_lowered  }
0x9b: {  	s22 =	simm.s32 $0x1BFF;
	s21 =	sshll.u32 s5, $0x1;
	s2 =	sadd.s32 s19, s18  }
0x9c: {  	s6 =	simm.s32 $0x0;
	s20 =	sshll.u32 s4, $0x1;
	s4 =	sadd.s32 s21, s2  }
0x9d: {  	[timem:s6], [sflag:s22] =	dma.local [hbm:s4], s20  }
0x9e: {  	_ =	swait.ge [sflag:s22], s20  }
0x9f: {  	s3 =	ssub.s32 $0x0, s20;
	[sflag:s22] =	ssyncset.done $0x0  }
0xa0: {  	[sflag:s22] =	ssyncadd.s32 s3;
	_ =	sdelay $0x1  }
0xa1: {  	s23 =	simm.s32 $0x1B8B  }
0xa2: {  	_ =	swait.ge [sflag:s23], $0x1  }
0xa3: {  	[sflag:s23] =	ssyncset.done $0x0  }
0xa4: {  	s25 =	simm.s32 $0x1B8E;
	s24 =	sld [smem:$0x3FFE];
	[sflag:s23] =	ssyncadd.s32 $0xFFFFFFFF  }
0xa5: {  	s26 =	simm.s32 $execute0_lowered;
	[smem:$0x3FD2] =	sst s25  }
0xa6: {  	s4 =	sshll.u32 s26, $0x1;
	_ =	strace $0x80000049;
	[dreg:$0x1] =	wrdreg $0xFFFFFFFF  }
0xa7: {  	s28 =	simm.s32 $_size_execute0_lowered;
	s2 =	sadd.s32 s2, s4;
	[dreg:$0x0] =	wrdreg $0x0  }
0xa8: {  	s4 =	sshll.u32 s28, $0x1;
	[dreg:$0x2] =	wrdreg s2  }
0xa9: {  	[dreg:$0x3] =	wrdreg s4  }
0xaa: {  	[dreg:$0x4] =	wrdreg $0xC0  }
0xab: {  	_ =	task [dreg:s6], $0x5FFFF  }
0xac: {  	[dreg:$0x1] =	wrdreg $0xFFFFFFFF  }
0xad: {  	[dreg:$0x0] =	wrdreg $0x60  }
0xae: {  	[dreg:$0x2] =	wrdreg s24  }
0xaf: {  	[dreg:$0x3] =	wrdreg $0x120000  }
0xb0: {  	[dreg:$0x4] =	wrdreg $0x9  }
0xb1: {  	_ =	task.clear_ibuf [dreg:s6], $0x5FFFF;
	_ =	strace $0x90000049  }
0xb2: {  	s29 =	simm.s32 $0x9;
	_ =	strace $0x8000004B  }
0xb3: {  	_ =	swait.ge [sflag:s29], $0x1  }
0xb4: {  	[sflag:s29] =	ssyncadd.s32 $0xFFFFFFFF  }
0xb5: {  	_ =	strace $0x9000004B  }
0xb6: {  	_ =	sfence  }
0xb7: {  	s30 =	sld [smem:$0x0];
	_ =	sdelay $0x2  }
0xb8: {  	s31 =	sshll.u32 s1, $0xD;
	s1 =	sshrl.u32 s1, $0x2  }
0xb9: {  	s3 =	sand.u32 $0x4000, s31;
	s1 =	sadd.s32 s1, s30  }
0xba: {  	s0 =	sor.u32 s3, s0;
	s1 =	sshll.u32 s1, $0x11  }
0xbb: {  	s0 =	sor.u32 s1, s0  }
0xbc: {  	s0 =	sadd.s32 $0x8F2B, s0  }
0xbd: {  	[sflag:s0] =	ssyncadd.remote.s32 $0x1  }
0xbe: {  	_ =	sfence.sel $0xFFFF  }
0xbf: {  	[dreg:$0x0] =	wrdreg $0xFFFFFFFF;
	(pc) =	sbr.abs _section_cstart, $3  }
0xc0: {  	[dreg:$0x1] =	wrdreg $0xFFFFFFFF  }
0xc1: {  	_ =	task.clear_ibuf [dreg:s6], $0x2FFFF;
	_ =	strace $0x9FFFFFFF  }
0xc2: {  	(tm) =	ssettm $0x7FFFFFFF  }
0xc3: {  	_ =	shalt  }
tec
execute0_lowered:
.L_overlay_start_1:
0x0: {  	(tag) =	ssettag $0x1  }
0x1: {  	s5 =	rddreg [dreg:$0x0]  }
0x2: {  	s0 =	srdreg.scid;
	s2 =	rddreg [dreg:$0x1]  }
0x3: {  	s1 =	stileid.u32;
	s3 =	simm.s32 $0x0;
	s17 =	simm.s32 $0x80  }
0x4: {  	s18 =	simm.s32 $0xA000;
	s19 =	simm.s32 $0xE000;
	s20 =	simm.s32 $0x1  }
0x5: {  	s21 =	simm.s32 $0x2;
	s22 =	simm.s32 $0x3;
	s7 =	smul.u32 $0xA00, s1  }
0x6: {  	s23 =	simm.s32 $0x4;
	s24 =	simm.s32 $0x0;
	s11 =	smul.u32 $0x140, s1  }
0x7: {  	s6 =	sand.u32 $0x1, s0;
	s0 =	rddreg [dreg:$0x2];
	s13 =	smul.u32 $0x28000, s1  }
0x8: {  	[smem:$0x7FF] =	sst s3;
	s10 =	sadd.s32 $0x51000, s5;
	s29 =	smul.u32 $0x5000, s1  }
0x9: {  	s12 =	sadd.s32 $0xC9000, s5;
	s15 =	sshll.u32 s1, $0x6;
	s4 =	smul.u32 $0xA000, s6  }
0xa: {  	_ =	strace $0x8000004A;
	s9 =	smul.u32 $0x2800, s6;
	s6 =	ssub.s32 $0x2, s6  }
0xb: {  	s15 =	sor.u32 $0x1C05, s15;
	s28 =	sshrl.u32 s6, $0x1;
	s30 =	sshrl.u32 s13, $0x2  }
0xc: {  	s13 =	simm.s32 $0x5;
	s8 =	sadd.s32 s7, s4;
	s4 =	sadd.s32 $0x79000, s5  }
0xd: {  	s14 =	ssub.s32 s6, s28;
	s6 =	sadd.s32 s10, s7;
	s9 =	sadd.s32 s11, s9  }
0xe: {  	s16 =	sadd.s32 s30, s2;
	s8 =	sadd.s32 s8, s5;
	s9 =	sshll.u32 s9, $0x4  }
0xf: {  	s16 =	sshrl.u32 s16, $0x3;
	s5 =	sadd.s32 $0x65000, s8;
	s8 =	sshrl.u32 s29, $0x3  }
0x10: {  	s7 =	sadd.s32 s4, s9;
	s31 =	sadd.s32 $0x14000, s9;
	s10 =	sadd.s32 s10, s8  }
0x11: {  	s8 =	sadd.s32 s12, s9;
	s11 =	sadd.s32 s12, s31;
	s12 =	smax.u32 s14, $0x1  }
0x12: {  	s14 =	simm.s32 $0x5000;
	s9 =	sadd.s32 $0xA000, s10;
	s10 =	sadd.s32 s4, s31  }
.LBB2_1:
0x13: {  	[tilespmem:s3], [sflag:$0x5] =	stream.linear.gather [hbm4b:s5+s3], $0x5000, $0x38;
	[tilespmem:$0x1C200] =	vst v63  }
0x14: {  	_ =	swait.ge [sflag:s13], $0x5000  }
0x15: {  	[sflag:s13] =	ssyncset.done $0x0  }
0x16: {  	[sflag:s13] =	ssyncadd.s32 $0xFFFFB000  }
0x17: {  	[tilespmem:s14], [sflag:$0x5] =	stream.linear.gather [hbm4b:s6+s3], $0x5000, $0x38;
	[tilespmem:$0x1C200] =	vst v63  }
0x18: {  	_ =	swait.ge [sflag:s13], $0x5000  }
0x19: {  	[sflag:s13] =	ssyncset.done $0x0  }
0x1a: {  	[sflag:s13] =	ssyncadd.s32 $0xFFFFB000  }
0x1b: {  	[spmem:s16], [sflag:s15] =	dma.local [hbm:s7], $0x1400  }
0x1c: {  	_ =	swait.ge [sflag:s13], $0x1400  }
0x1d: {  	[sflag:s13] =	ssyncset.done $0x0  }
0x1e: {  	[sflag:s13] =	ssyncadd.s32 $0xFFFFEC00  }
0x1f: {  	s25 =	simm.s32 $0x0;
	[bflag:$0x0] =	sbarrier.arrive $0xFFFF  }
0x20: {  	[tilespmem:s18], [sflag:$0x1] =	stream.indirect.gather [hbm4b:s4+s17], $0x80, s25, s17, $0xb8;
	[tilespmem:$0x1C200] =	vst v63  }
0x21: {  	s29 =	simm.s32 $0x80  }
0x22: {  	[tilespmem:s19], [sflag:$0x2] =	stream.indirect.gather [hbm4b:s4+s17], $0x80, s29, s17, $0xb8;
	[tilespmem:$0x1C200] =	vst v63  }
0x23: {  	_ =	swait.ge [sflag:s20], $0x4000  }
0x24: {  	[sflag:s20] =	ssyncset.done $0x0  }
0x25: {  	s30 =	simm.s32 $0x5000;
	[sflag:s20] =	ssyncadd.s32 $0xFFFFC000  }
0x26: {  	[spmem:s2] =	stream.indirect.scatter.add.f32 [tilespmem:s18], [sflag:$0x3], $0x80, s30, s17, $0xb8;
	[tilespmem:$0x1C200] =	vst v63  }
0x27: {  	_ =	swait.ge [sflag:s21], $0x4000  }
0x28: {  	[sflag:s21] =	ssyncset.done $0x0  }
0x29: {  	s31 =	simm.s32 $0x5080;
	[sflag:s21] =	ssyncadd.s32 $0xFFFFC000  }
0x2a: {  	[spmem:s2] =	stream.indirect.scatter.add.f32 [tilespmem:s19], [sflag:$0x4], $0x80, s31, s17, $0xb8;
	[tilespmem:$0x1C200] =	vst v63  }
0x2b: {  	_ =	swait.ge [sflag:s22], $0x4000  }
0x2c: {  	[sflag:s22] =	ssyncset.done $0x0  }
0x2d: {  	[sflag:s22] =	ssyncadd.s32 $0xFFFFC000  }
0x2e: {  	_ =	swait.ge [sflag:s23], $0x4000  }
0x2f: {  	s26 =	simm.s32 $0x800;
	s25 =	simm.s32 $0x400;
	[sflag:s23] =	ssyncset.done $0x0  }
.LBB2_2:
0x30: {  	s28 =	sshra.s32 s25, $0x2  }
0x31: {  	[sflag:s23] =	ssyncadd.s32 $0xFFFFC000;
	s25 =	smov.u32 s26;
	s29 =	sadd.s32 $0x400, s26  }
0x32: {  	[tilespmem:s18], [sflag:$0x1] =	stream.indirect.gather [hbm4b:s4+s17], $0x80, s28, s17, $0xb8;
	[tilespmem:$0x1C200] =	vst v63  }
0x33: {  	p0 =	sne.s32 s26, $0x13C00;
	s26 =	sadd.s32 $0x80, s28  }
0x34: {  	[tilespmem:s19], [sflag:$0x2] =	stream.indirect.gather [hbm4b:s4+s17], $0x80, s26, s17, $0xb8;
	[tilespmem:$0x1C200] =	vst v63  }
0x35: {  	_ =	swait.ge [sflag:s20], $0x4000  }
0x36: {  	[sflag:s20] =	ssyncset.done $0x0  }
0x37: {  	s26 =	sadd.s32 $0x5000, s28;
	[sflag:s20] =	ssyncadd.s32 $0xFFFFC000  }
0x38: {  	[spmem:s2] =	stream.indirect.scatter.add.f32 [tilespmem:s18], [sflag:$0x3], $0x80, s26, s17, $0xb8;
	[tilespmem:$0x1C200] =	vst v63  }
0x39: {  	_ =	swait.ge [sflag:s21], $0x4000  }
0x3a: {  	[sflag:s21] =	ssyncset.done $0x0  }
0x3b: {  	s26 =	sadd.s32 $0x5080, s28;
	[sflag:s21] =	ssyncadd.s32 $0xFFFFC000  }
0x3c: {  	[spmem:s2] =	stream.indirect.scatter.add.f32 [tilespmem:s19], [sflag:$0x4], $0x80, s26, s17, $0xb8;
	[tilespmem:$0x1C200] =	vst v63  }
.Ltmp0:
0x3d: {  	_ =	swait.ge [sflag:s22], $0x4000;
	(pc) =	sbr.rel @p0 .LBB2_2-.Ltmp0, $4  }
0x3e: {  	[sflag:s22] =	ssyncset.done $0x0  }
0x3f: {  	[sflag:s22] =	ssyncadd.s32 $0xFFFFC000  }
0x40: {  	_ =	swait.ge [sflag:s23], $0x4000  }
0x41: {  	s26 =	smov.u32 s29;
	[sflag:s23] =	ssyncset.done $0x0  }
0x42: {  	s25 =	sshra.s32 s25, $0x2;
	[sflag:s23] =	ssyncadd.s32 $0xFFFFC000  }
0x43: {  	[tilespmem:s18], [sflag:$0x1] =	stream.indirect.gather [hbm4b:s4+s17], $0x80, s25, s17, $0xb8;
	[tilespmem:$0x1C200] =	vst v63  }
0x44: {  	s26 =	sadd.s32 $0x80, s25  }
0x45: {  	[tilespmem:s19], [sflag:$0x2] =	stream.indirect.gather [hbm4b:s4+s17], $0x80, s26, s17, $0xb8;
	[tilespmem:$0x1C200] =	vst v63  }
0x46: {  	_ =	swait.ge [sflag:s20], $0x4000  }
0x47: {  	[sflag:s20] =	ssyncset.done $0x0  }
0x48: {  	s31 =	sadd.s32 $0x5000, s25;
	[sflag:s20] =	ssyncadd.s32 $0xFFFFC000  }
0x49: {  	[spmem:s2] =	stream.indirect.scatter.add.f32 [tilespmem:s18], [sflag:$0x3], $0x80, s31, s17, $0xb8;
	[tilespmem:$0x1C200] =	vst v63  }
0x4a: {  	_ =	swait.ge [sflag:s21], $0x4000  }
0x4b: {  	[sflag:s21] =	ssyncset.done $0x0  }
0x4c: {  	s25 =	sadd.s32 $0x5080, s25;
	[sflag:s21] =	ssyncadd.s32 $0xFFFFC000  }
0x4d: {  	[spmem:s2] =	stream.indirect.scatter.add.f32 [tilespmem:s19], [sflag:$0x4], $0x80, s25, s17, $0xb8;
	[tilespmem:$0x1C200] =	vst v63  }
0x4e: {  	_ =	swait.ge [sflag:s22], $0x4000  }
0x4f: {  	[sflag:s22] =	ssyncset.done $0x0  }
0x50: {  	[sflag:s22] =	ssyncadd.s32 $0xFFFFC000  }
0x51: {  	_ =	swait.ge [sflag:s23], $0x4000  }
0x52: {  	[sflag:s23] =	ssyncset.done $0x0  }
0x53: {  	[sflag:s23] =	ssyncadd.s32 $0xFFFFC000  }
0x54: {  	[bflag:$0x0] =	sbarrier.arrive $0xFFFF  }
0x55: {  	[hbm:s8], [sflag:s15] =	dma.local [spmem:s16], $0x1400  }
0x56: {  	_ =	swait.ge [sflag:s13], $0x1400  }
0x57: {  	[sflag:s13] =	ssyncset.done $0x0  }
0x58: {  	[sflag:s13] =	ssyncadd.s32 $0xFFFFEC00  }
0x59: {  	s26 =	simm.s32 $0x0;
	[bflag:$0x0] =	sbarrier.arrive $0xFFFF  }
0x5a: {  	[tilespmem:s14], [sflag:$0x5] =	stream.linear.gather [hbm4b:s9+s26], $0x5000, $0x38;
	[tilespmem:$0x1C200] =	vst v63  }
0x5b: {  	_ =	swait.ge [sflag:s13], $0x5000  }
0x5c: {  	[sflag:s13] =	ssyncset.done $0x0  }
0x5d: {  	[sflag:s13] =	ssyncadd.s32 $0xFFFFB000  }
0x5e: {  	[spmem:s16], [sflag:s15] =	dma.local [hbm:s10], $0x1400  }
0x5f: {  	_ =	swait.ge [sflag:s13], $0x1400  }
0x60: {  	[sflag:s13] =	ssyncset.done $0x0  }
0x61: {  	[sflag:s13] =	ssyncadd.s32 $0xFFFFEC00  }
0x62: {  	s28 =	simm.s32 $0x0;
	[bflag:$0x0] =	sbarrier.arrive $0xFFFF  }
0x63: {  	[tilespmem:s18], [sflag:$0x1] =	stream.indirect.gather [hbm4b:s4+s17], $0x80, s28, s17, $0xb8;
	[tilespmem:$0x1C200] =	vst v63  }
0x64: {  	s29 =	simm.s32 $0x80  }
0x65: {  	[tilespmem:s19], [sflag:$0x2] =	stream.indirect.gather [hbm4b:s4+s17], $0x80, s29, s17, $0xb8;
	[tilespmem:$0x1C200] =	vst v63  }
0x66: {  	_ =	swait.ge [sflag:s20], $0x4000  }
0x67: {  	[sflag:s20] =	ssyncset.done $0x0  }
0x68: {  	s30 =	simm.s32 $0x5000;
	[sflag:s20] =	ssyncadd.s32 $0xFFFFC000  }
0x69: {  	[spmem:s2] =	stream.indirect.scatter.add.f32 [tilespmem:s18], [sflag:$0x3], $0x80, s30, s17, $0xb8;
	[tilespmem:$0x1C200] =	vst v63  }
0x6a: {  	_ =	swait.ge [sflag:s21], $0x4000  }
0x6b: {  	[sflag:s21] =	ssyncset.done $0x0  }
0x6c: {  	s31 =	simm.s32 $0x5080;
	[sflag:s21] =	ssyncadd.s32 $0xFFFFC000  }
0x6d: {  	[spmem:s2] =	stream.indirect.scatter.add.f32 [tilespmem:s19], [sflag:$0x4], $0x80, s31, s17, $0xb8;
	[tilespmem:$0x1C200] =	vst v63  }
0x6e: {  	_ =	swait.ge [sflag:s22], $0x4000  }
0x6f: {  	[sflag:s22] =	ssyncset.done $0x0  }
0x70: {  	[sflag:s22] =	ssyncadd.s32 $0xFFFFC000  }
0x71: {  	_ =	swait.ge [sflag:s23], $0x4000  }
0x72: {  	s25 =	simm.s32 $0x400;
	s26 =	simm.s32 $0x800;
	[sflag:s23] =	ssyncset.done $0x0  }
.LBB2_4:
0x73: {  	s28 =	sshra.s32 s25, $0x2  }
0x74: {  	[sflag:s23] =	ssyncadd.s32 $0xFFFFC000;
	s25 =	smov.u32 s26;
	s29 =	sadd.s32 $0x400, s26  }
0x75: {  	[tilespmem:s18], [sflag:$0x1] =	stream.indirect.gather [hbm4b:s4+s17], $0x80, s28, s17, $0xb8;
	[tilespmem:$0x1C200] =	vst v63  }
0x76: {  	p0 =	sne.s32 s26, $0x13C00;
	s26 =	sadd.s32 $0x80, s28  }
0x77: {  	[tilespmem:s19], [sflag:$0x2] =	stream.indirect.gather [hbm4b:s4+s17], $0x80, s26, s17, $0xb8;
	[tilespmem:$0x1C200] =	vst v63  }
0x78: {  	_ =	swait.ge [sflag:s20], $0x4000  }
0x79: {  	[sflag:s20] =	ssyncset.done $0x0  }
0x7a: {  	s26 =	sadd.s32 $0x5000, s28;
	[sflag:s20] =	ssyncadd.s32 $0xFFFFC000  }
0x7b: {  	[spmem:s2] =	stream.indirect.scatter.add.f32 [tilespmem:s18], [sflag:$0x3], $0x80, s26, s17, $0xb8;
	[tilespmem:$0x1C200] =	vst v63  }
0x7c: {  	_ =	swait.ge [sflag:s21], $0x4000  }
0x7d: {  	[sflag:s21] =	ssyncset.done $0x0  }
0x7e: {  	s26 =	sadd.s32 $0x5080, s28;
	[sflag:s21] =	ssyncadd.s32 $0xFFFFC000  }
0x7f: {  	[spmem:s2] =	stream.indirect.scatter.add.f32 [tilespmem:s19], [sflag:$0x4], $0x80, s26, s17, $0xb8;
	[tilespmem:$0x1C200] =	vst v63  }
.Ltmp1:
0x80: {  	_ =	swait.ge [sflag:s22], $0x4000;
	(pc) =	sbr.rel @p0 .LBB2_4-.Ltmp1, $4  }
0x81: {  	[sflag:s22] =	ssyncset.done $0x0  }
0x82: {  	[sflag:s22] =	ssyncadd.s32 $0xFFFFC000  }
0x83: {  	_ =	swait.ge [sflag:s23], $0x4000  }
0x84: {  	s26 =	smov.u32 s29;
	[sflag:s23] =	ssyncset.done $0x0  }
0x85: {  	s25 =	sshra.s32 s25, $0x2;
	[sflag:s23] =	ssyncadd.s32 $0xFFFFC000  }
0x86: {  	[tilespmem:s18], [sflag:$0x1] =	stream.indirect.gather [hbm4b:s4+s17], $0x80, s25, s17, $0xb8;
	[tilespmem:$0x1C200] =	vst v63  }
0x87: {  	s26 =	sadd.s32 $0x80, s25  }
0x88: {  	[tilespmem:s19], [sflag:$0x2] =	stream.indirect.gather [hbm4b:s4+s17], $0x80, s26, s17, $0xb8;
	[tilespmem:$0x1C200] =	vst v63  }
0x89: {  	_ =	swait.ge [sflag:s20], $0x4000  }
0x8a: {  	[sflag:s20] =	ssyncset.done $0x0  }
0x8b: {  	s31 =	sadd.s32 $0x5000, s25;
	[sflag:s20] =	ssyncadd.s32 $0xFFFFC000  }
0x8c: {  	[spmem:s2] =	stream.indirect.scatter.add.f32 [tilespmem:s18], [sflag:$0x3], $0x80, s31, s17, $0xb8;
	[tilespmem:$0x1C200] =	vst v63  }
0x8d: {  	_ =	swait.ge [sflag:s21], $0x4000  }
0x8e: {  	[sflag:s21] =	ssyncset.done $0x0  }
0x8f: {  	s25 =	sadd.s32 $0x5080, s25;
	[sflag:s21] =	ssyncadd.s32 $0xFFFFC000  }
0x90: {  	[spmem:s2] =	stream.indirect.scatter.add.f32 [tilespmem:s19], [sflag:$0x4], $0x80, s25, s17, $0xb8;
	[tilespmem:$0x1C200] =	vst v63  }
0x91: {  	_ =	swait.ge [sflag:s22], $0x4000  }
0x92: {  	[sflag:s22] =	ssyncset.done $0x0  }
0x93: {  	[sflag:s22] =	ssyncadd.s32 $0xFFFFC000  }
0x94: {  	_ =	swait.ge [sflag:s23], $0x4000  }
0x95: {  	[sflag:s23] =	ssyncset.done $0x0  }
0x96: {  	s24 =	sadd.s32 $0x1, s24;
	[sflag:s23] =	ssyncadd.s32 $0xFFFFC000  }
0x97: {  	p0 =	sne.s32 s24, s12;
	[bflag:$0x0] =	sbarrier.arrive $0xFFFF  }
0x98: {  	[hbm:s11], [sflag:s15] =	dma.local [spmem:s16], $0x1400  }
.Ltmp2:
0x99: {  	_ =	swait.ge [sflag:s13], $0x1400;
	(pc) =	sbr.rel @p0 .LBB2_1-.Ltmp2, $3  }
0x9a: {  	[sflag:s13] =	ssyncset.done $0x0  }
0x9b: {  	[sflag:s13] =	ssyncadd.s32 $0xFFFFEC00  }
0x9c: {  	[bflag:$0x0] =	sbarrier.arrive $0xFFFF;
	_ =	sdelay $0x1  }
0x9d: {  	_ =	sfence.sel $0x180000  }
0x9e: {  	[bflag:$0x0] =	sbarrier.arrive $0xFFFF  }
0x9f: {  	p0 =	sne.s32 s1, $0x0;
	_ =	strace $0x9000004A  }
0xa0: {  	s0 =	sadd.s32 @!p0 $0x100000, s0;
	[bflag:$0x2] =	sbarrier.arrive $0xFFFF  }
0xa1: {  	[sflag:s0] =	ssyncadd.tile.s32 @!p0 $0x1;
	_ =	shalt  }
.Lfunc_end2:
_tile_overlayer_lowered:
.L_overlay_start_2:
0xa2: {  	(tag) =	ssettag $0x2  }
0xa3: {  	s0 =	rddreg [dreg:$0x0];
	s2 =	stileid.u32  }
0xa4: {  	s1 =	rddreg [dreg:$0x1];
	p0 =	sne.s32 s2, $0x0  }
0xa5: {  	s3 =	rddreg [dreg:$0x2];
	[bflag:$0x3] =	sbarrier.arrive $0xFFFF;
	s2 =	simm.s32 @!p0 $0x1C05  }
0xa6: {  	[timem:s3], [sflag:s2] =	dma.local @!p0 [hbm:s0], s1  }
0xa7: {  	s0 =	simm.s32 @!p0 $0x5  }
0xa8: {  	_ =	swait.ge @!p0 [sflag:s0], s1  }
0xa9: {  	s1 =	ssub.s32 @!p0 $0x0, s1;
	[sflag:s0] =	ssyncset.done @!p0 $0x0  }
0xaa: {  	[sflag:s0] =	ssyncadd.s32 @!p0 s1  }
0xab: {  	[bflag:$0x3] =	sbarrier.arrive $0xFFFF  }
0xac: {  	_ =	shalt  }

// kernel: kernel.14.cloned.1.call-start
scs
__scs_entry_jumppad:
0x0: {  	(pc) =	sbr.rel $0x88, $3  }
0x1: {  	(tag) =	ssettag $0x0;
	lr =	simm.s32 $0x1  }
0x2: {  	[smem:$0x3F99] =	sst lr;
	_ =	strace $0xD0000000  }
0x3: {  	_ = 	snop  }
0x4: {  	_ = 	snop  }
0x5: {  	_ = 	snop  }
0x6: {  	_ = 	snop  }
0x7: {  	_ = 	snop  }
__scs_overlays_trampoline_lowered:
0x8: {  	[smem:$0x3FA8] =	sst s0  }
0x9: {  	[smem:$0x3FA9] =	sst s1  }
0xa: {  	[smem:$0x3FAA] =	sst s2  }
0xb: {  	[smem:$0x3FAB] =	sst s3  }
0xc: {  	[smem:$0x3FAC] =	sst s4  }
0xd: {  	[smem:$0x3FAD] =	sst s5  }
0xe: {  	[smem:$0x3FAE] =	sst s6  }
0xf: {  	[smem:$0x3FAF] =	sst s7  }
0x10: {  	[smem:$0x3FB0] =	sst s8  }
0x11: {  	[smem:$0x3FB1] =	sst s9;
	s0 =	simm.s32 @!p0 $0x0  }
0x12: {  	s1 =	sld [smem:$0x3F97];
	s0 =	simm.s32 @p0 $0x1  }
0x13: {  	[smem:$0x3FB2] =	sst s0;
	s0 =	simm.s32 @!p1 $0x0  }
0x14: {  	s2 =	sld [smem:$0x3F96];
	s0 =	simm.s32 @p1 $0x1  }
0x15: {  	[smem:$0x3FB3] =	sst s0;
	s0 =	simm.s32 @!p2 $0x0  }
0x16: {  	s3 =	sld [smem:$0x3FDB];
	s0 =	simm.s32 @p2 $0x1  }
0x17: {  	s4 =	simm.s32 $0x1BF5;
	[smem:$0x3FB5] =	sst s0  }
0x18: {  	s0 =	sld [smem:$0x3F98];
	_ =	swait.ge [sflag:s4], $0x0  }
0x19: {  	s7 =	sld [smem:$0x3F99]  }
0x1a: {  	s8 =	sadd.s32 $0xFFFFE003, lr  }
0x1b: {  	s9 =	sadd.s32 $0xFFFFFEF7, lr;
	s5 =	simm.s32 $0xFFFFFFFF;
	p2 =	slt.u32 s8, $0xFFFFF086  }
0x1c: {  	p1 =	slt.u32 s9, $0xF7A;
	s5 =	simm.s32 @!p2 $0x0  }
0x1d: {  	s5 =	simm.s32 @p1 $0x1;
	p0 =	seq.s32 s7, s2  }
0x1e: {  	s7 =	smul.u32 @!p0 $0xF7A, s2;
	p2 =	seq.s32 @!p0 s5, $0x0  }
0x1f: {  	s9 =	smul.u32 $0xF7A, s1;
	s8 =	simm.s32 @!p0 $0x1BF5;
	p2 =	por !p2, p0  }
0x20: {  	[sflag:s8] =	ssyncset.s32 @!p0 $0xFFFFF086;
	s6 =	sadd.s32 @!p0 s3, s7;
	s7 =	simm.s32 @!p0 $0x108  }
0x21: {  	s3 =	sadd.s32 s3, s9;
	s6 =	sadd.s32 @!p0 $0x88, s6;
	s7 =	simm.s32 @p2 $0x1082  }
0x22: {  	[simem:s7], [sflag:s8] =	dma.local @!p0 [hbm:s6], $0xF7A  }
0x23: {  	s9 =	sor.u32 $0xD0000000, s2;
	s6 =	simm.s32 $0x108;
	_ =	swait.ge @!p0 [sflag:s8], $0x0  }
0x24: {  	s3 =	sadd.s32 $0x88, s3;
	s6 =	simm.s32 @!p1 $0x1082;
	[sflag:s4] =	ssyncset.s32 $0xFFFFF086  }
0x25: {  	[simem:s6], [sflag:s4] =	dma.local [hbm:s3], $0xF7A  }
0x26: {  	[smem:$0x3F99] =	sst s1;
	(tag) =	ssettag s2;
	_ =	strace s9  }
0x27: {  	s1 =	sld [smem:$0x3FA9]  }
0x28: {  	s2 =	sld [smem:$0x3FAA]  }
0x29: {  	s4 =	sld [smem:$0x3FAC]  }
0x2a: {  	p0 =	seq.s32 s5, $0x0;
	s5 =	sld [smem:$0x3FAD]  }
0x2b: {  	s6 =	sld [smem:$0x3FAE]  }
0x2c: {  	s7 =	sld [smem:$0x3FAF]  }
0x2d: {  	s3 =	simm.s32 $0x108;
	s8 =	sld [smem:$0x3FB0]  }
0x2e: {  	s3 =	simm.s32 @!p0 $0x1082;
	s9 =	sld [smem:$0x3FB1]  }
0x2f: {  	lr =	sadd.s32 s0, s3;
	s0 =	sld [smem:$0x3FA8]  }
0x30: {  	s3 =	sld [smem:$0x3FAB]  }
0x31: {  	[smem:$0x3FB4] =	sst s10  }
0x32: {  	s10 =	sld [smem:$0x3FB2];
	_ =	sdelay $0x3  }
0x33: {  	p0 =	seq.s32 s10, $0x1;
	s10 =	sld [smem:$0x3FB4];
	_ =	sdelay $0x3  }
0x34: {  	[smem:$0x3FB4] =	sst s10  }
0x35: {  	s10 =	sld [smem:$0x3FB3];
	_ =	sdelay $0x3  }
0x36: {  	p1 =	seq.s32 s10, $0x1;
	s10 =	sld [smem:$0x3FB4];
	_ =	sdelay $0x3  }
0x37: {  	[smem:$0x3FB4] =	sst s10  }
0x38: {  	s10 =	sld [smem:$0x3FB5]  }
0x39: {  	_ = 	snop;
	(pc) =	sbr.ind lr, $3  }
0x3a: {  	_ = 	snop  }
0x3b: {  	_ = 	snop  }
0x3c: {  	p2 =	seq.s32 s10, $0x1;
	s10 =	sld [smem:$0x3FB4]  }
0x3d: {  	_ =	shalt  }
0x3e: {  	_ =	shalt  }
0x3f: {  	_ =	shalt  }
0x40: {  	_ =	shalt  }
0x41: {  	_ =	shalt  }
0x42: {  	_ =	shalt  }
0x43: {  	_ =	shalt  }
0x44: {  	_ =	shalt  }
0x45: {  	_ =	shalt  }
0x46: {  	_ =	shalt  }
0x47: {  	_ =	shalt  }
0x48: {  	_ =	shalt  }
0x49: {  	_ =	shalt  }
0x4a: {  	_ =	shalt  }
0x4b: {  	_ =	shalt  }
0x4c: {  	_ =	shalt  }
0x4d: {  	_ =	shalt  }
0x4e: {  	_ =	shalt  }
0x4f: {  	_ =	shalt  }
0x50: {  	_ =	shalt  }
0x51: {  	_ =	shalt  }
0x52: {  	_ =	shalt  }
0x53: {  	_ =	shalt  }
0x54: {  	_ =	shalt  }
0x55: {  	_ =	shalt  }
0x56: {  	_ =	shalt  }
0x57: {  	_ =	shalt  }
0x58: {  	_ =	shalt  }
0x59: {  	_ =	shalt  }
0x5a: {  	_ =	shalt  }
0x5b: {  	_ =	shalt  }
0x5c: {  	_ =	shalt  }
0x5d: {  	_ =	shalt  }
0x5e: {  	_ =	shalt  }
0x5f: {  	_ =	shalt  }
0x60: {  	_ =	shalt  }
0x61: {  	_ =	shalt  }
0x62: {  	_ =	shalt  }
0x63: {  	_ =	shalt  }
0x64: {  	_ =	shalt  }
0x65: {  	_ =	shalt  }
0x66: {  	_ =	shalt  }
0x67: {  	_ =	shalt  }
0x68: {  	_ =	shalt  }
0x69: {  	_ =	shalt  }
0x6a: {  	_ =	shalt  }
0x6b: {  	_ =	shalt  }
0x6c: {  	_ =	shalt  }
0x6d: {  	_ =	shalt  }
0x6e: {  	_ =	shalt  }
0x6f: {  	_ =	shalt  }
0x70: {  	_ =	shalt  }
0x71: {  	_ =	shalt  }
0x72: {  	_ =	shalt  }
0x73: {  	_ =	shalt  }
0x74: {  	_ =	shalt  }
0x75: {  	_ =	shalt  }
0x76: {  	_ =	shalt  }
0x77: {  	_ =	shalt  }
0x78: {  	_ =	shalt  }
0x79: {  	_ =	shalt  }
0x7a: {  	_ =	shalt  }
0x7b: {  	_ =	shalt  }
0x7c: {  	_ =	shalt  }
0x7d: {  	_ =	shalt  }
0x7e: {  	_ =	shalt  }
0x7f: {  	_ =	shalt  }
0x80: {  	_ =	shalt  }
0x81: {  	_ =	shalt  }
0x82: {  	_ =	shalt  }
0x83: {  	_ =	shalt  }
0x84: {  	_ =	shalt  }
0x85: {  	_ =	shalt  }
0x86: {  	_ =	shalt  }
0x87: {  	_ =	shalt  }
.Lfunc_end0:
.L_simem_size_0:
called_computation.2_lowered:
.L_overlay_start_0:
0x88: {  	s2 =	sld [smem:$0x3FD9]  }
0x89: {  	s3 =	sld [smem:$0x3FFE];
	_ =	sdelay $0x1  }
0x8a: {  	s1 =	srdreg.scid  }
0x8b: {  	s0 =	sand.u32 $0x1, s1  }
0x8c: {  	s16 =	sshll.u32 s0, $0xA;
	s2 =	sadd.s32 s3, s2  }
0x8d: {  	s2 =	sadd.s32 s2, s16  }
0x8e: {  	[smem:$0x3FC0] =	sst s2  }
0x8f: {  	_ = 	snop  }
0x90: {  	(tm) =	ssettm $0x1  }
0x91: {  	s17 =	sld [smem:$0x3FFB];
	_ =	sdelay $0x3  }
0x92: {  	_ =	strace s17  }
0x93: {  	s2 =	sld [smem:$0x3FFC];
	_ =	sdelay $0x3  }
0x94: {  	_ =	strace s2  }
0x95: {  	s2 =	sld [smem:$0x3FFD];
	_ =	sdelay $0x3  }
0x96: {  	_ =	strace s2  }
0x97: {  	_ =	strace $0x8FFFFFFF  }
0x98: {  	s18 =	sld [smem:$0x3FDB];
	_ =	sdelay $0x1  }
0x99: {  	s19 =	simm.s32 $_scs_section_size  }
0x9a: {  	s4 =	simm.s32 $_size__tile_overlayer_lowered;
	s5 =	simm.s32 $_tile_overlayer_lowered  }
0x9b: {  	s22 =	simm.s32 $0x1BFF;
	s21 =	sshll.u32 s5, $0x1;
	s2 =	sadd.s32 s19, s18  }
0x9c: {  	s6 =	simm.s32 $0x0;
	s20 =	sshll.u32 s4, $0x1;
	s4 =	sadd.s32 s21, s2  }
0x9d: {  	[timem:s6], [sflag:s22] =	dma.local [hbm:s4], s20  }
0x9e: {  	_ =	swait.ge [sflag:s22], s20  }
0x9f: {  	s3 =	ssub.s32 $0x0, s20;
	[sflag:s22] =	ssyncset.done $0x0  }
0xa0: {  	[sflag:s22] =	ssyncadd.s32 s3;
	_ =	sdelay $0x1  }
0xa1: {  	s23 =	simm.s32 $0x1B8B  }
0xa2: {  	_ =	swait.ge [sflag:s23], $0x1  }
0xa3: {  	[sflag:s23] =	ssyncset.done $0x0  }
0xa4: {  	s25 =	simm.s32 $0x1B8E;
	s24 =	sld [smem:$0x3FFE];
	[sflag:s23] =	ssyncadd.s32 $0xFFFFFFFF  }
0xa5: {  	s26 =	simm.s32 $execute0_lowered;
	[smem:$0x3FD2] =	sst s25  }
0xa6: {  	s4 =	sshll.u32 s26, $0x1;
	_ =	strace $0x8000004C;
	[dreg:$0x1] =	wrdreg $0xFFFFFFFF  }
0xa7: {  	s28 =	simm.s32 $_size_execute0_lowered;
	s2 =	sadd.s32 s2, s4;
	[dreg:$0x0] =	wrdreg $0x0  }
0xa8: {  	s4 =	sshll.u32 s28, $0x1;
	[dreg:$0x2] =	wrdreg s2  }
0xa9: {  	[dreg:$0x3] =	wrdreg s4  }
0xaa: {  	[dreg:$0x4] =	wrdreg $0xC0  }
0xab: {  	_ =	task [dreg:s6], $0x5FFFF  }
0xac: {  	[dreg:$0x1] =	wrdreg $0xFFFFFFFF  }
0xad: {  	[dreg:$0x0] =	wrdreg $0x60  }
0xae: {  	[dreg:$0x2] =	wrdreg s24  }
0xaf: {  	[dreg:$0x3] =	wrdreg $0x120000  }
0xb0: {  	[dreg:$0x4] =	wrdreg $0x9  }
0xb1: {  	_ =	task.clear_ibuf [dreg:s6], $0x5FFFF;
	_ =	strace $0x9000004C  }
0xb2: {  	s29 =	simm.s32 $0x9;
	_ =	strace $0x8000004E  }
0xb3: {  	_ =	swait.ge [sflag:s29], $0x1  }
0xb4: {  	[sflag:s29] =	ssyncadd.s32 $0xFFFFFFFF  }
0xb5: {  	_ =	strace $0x9000004E  }
0xb6: {  	_ =	sfence  }
0xb7: {  	s30 =	sld [smem:$0x0];
	_ =	sdelay $0x2  }
0xb8: {  	s31 =	sshll.u32 s1, $0xD;
	s1 =	sshrl.u32 s1, $0x2  }
0xb9: {  	s3 =	sand.u32 $0x4000, s31;
	s1 =	sadd.s32 s1, s30  }
0xba: {  	s0 =	sor.u32 s3, s0;
	s1 =	sshll.u32 s1, $0x11  }
0xbb: {  	s0 =	sor.u32 s1, s0  }
0xbc: {  	s0 =	sadd.s32 $0x8F2B, s0  }
0xbd: {  	[sflag:s0] =	ssyncadd.remote.s32 $0x1  }
0xbe: {  	_ =	sfence.sel $0xFFFF  }
0xbf: {  	[dreg:$0x0] =	wrdreg $0xFFFFFFFF;
	(pc) =	sbr.abs _section_cstart, $3  }
0xc0: {  	[dreg:$0x1] =	wrdreg $0xFFFFFFFF  }
0xc1: {  	_ =	task.clear_ibuf [dreg:s6], $0x2FFFF;
	_ =	strace $0x9FFFFFFF  }
0xc2: {  	(tm) =	ssettm $0x7FFFFFFF  }
0xc3: {  	_ =	shalt  }
tec
execute0_lowered:
.L_overlay_start_1:
0x0: {  	(tag) =	ssettag $0x1  }
0x1: {  	s5 =	rddreg [dreg:$0x0]  }
0x2: {  	s0 =	srdreg.scid;
	s2 =	rddreg [dreg:$0x1]  }
0x3: {  	s1 =	stileid.u32;
	s3 =	simm.s32 $0x0;
	s17 =	simm.s32 $0x80  }
0x4: {  	s18 =	simm.s32 $0xA000;
	s19 =	simm.s32 $0xE000;
	s20 =	simm.s32 $0x1  }
0x5: {  	s21 =	simm.s32 $0x2;
	s22 =	simm.s32 $0x3;
	s7 =	smul.u32 $0xA00, s1  }
0x6: {  	s23 =	simm.s32 $0x4;
	s24 =	simm.s32 $0x0;
	s11 =	smul.u32 $0x140, s1  }
0x7: {  	s6 =	sand.u32 $0x1, s0;
	s0 =	rddreg [dreg:$0x2];
	s13 =	smul.u32 $0x28000, s1  }
0x8: {  	[smem:$0x7FF] =	sst s3;
	s10 =	sadd.s32 $0x51000, s5;
	s29 =	smul.u32 $0x5000, s1  }
0x9: {  	s12 =	sadd.s32 $0xC9000, s5;
	s15 =	sshll.u32 s1, $0x6;
	s4 =	smul.u32 $0xA000, s6  }
0xa: {  	_ =	strace $0x8000004D;
	s9 =	smul.u32 $0x2800, s6;
	s6 =	ssub.s32 $0x2, s6  }
0xb: {  	s15 =	sor.u32 $0x1C05, s15;
	s28 =	sshrl.u32 s6, $0x1;
	s30 =	sshrl.u32 s13, $0x2  }
0xc: {  	s13 =	simm.s32 $0x5;
	s8 =	sadd.s32 s7, s4;
	s4 =	sadd.s32 $0x79000, s5  }
0xd: {  	s14 =	ssub.s32 s6, s28;
	s6 =	sadd.s32 s10, s7;
	s9 =	sadd.s32 s11, s9  }
0xe: {  	s16 =	sadd.s32 s30, s2;
	s8 =	sadd.s32 s8, s5;
	s9 =	sshll.u32 s9, $0x4  }
0xf: {  	s16 =	sshrl.u32 s16, $0x3;
	s5 =	sadd.s32 $0x65000, s8;
	s8 =	sshrl.u32 s29, $0x3  }
0x10: {  	s7 =	sadd.s32 s4, s9;
	s31 =	sadd.s32 $0x14000, s9;
	s10 =	sadd.s32 s10, s8  }
0x11: {  	s8 =	sadd.s32 s12, s9;
	s11 =	sadd.s32 s12, s31;
	s12 =	smax.u32 s14, $0x1  }
0x12: {  	s14 =	simm.s32 $0x5000;
	s9 =	sadd.s32 $0xA000, s10;
	s10 =	sadd.s32 s4, s31  }
.LBB2_1:
0x13: {  	[tilespmem:s3], [sflag:$0x5] =	stream.linear.gather [hbm4b:s5+s3], $0x5000, $0x38;
	[tilespmem:$0x1C200] =	vst v63  }
0x14: {  	_ =	swait.ge [sflag:s13], $0x5000  }
0x15: {  	[sflag:s13] =	ssyncset.done $0x0  }
0x16: {  	[sflag:s13] =	ssyncadd.s32 $0xFFFFB000  }
0x17: {  	[tilespmem:s14], [sflag:$0x5] =	stream.linear.gather [hbm4b:s6+s3], $0x5000, $0x38;
	[tilespmem:$0x1C200] =	vst v63  }
0x18: {  	_ =	swait.ge [sflag:s13], $0x5000  }
0x19: {  	[sflag:s13] =	ssyncset.done $0x0  }
0x1a: {  	[sflag:s13] =	ssyncadd.s32 $0xFFFFB000  }
0x1b: {  	[spmem:s16], [sflag:s15] =	dma.local [hbm:s7], $0x1400  }
0x1c: {  	_ =	swait.ge [sflag:s13], $0x1400  }
0x1d: {  	[sflag:s13] =	ssyncset.done $0x0  }
0x1e: {  	[sflag:s13] =	ssyncadd.s32 $0xFFFFEC00  }
0x1f: {  	s25 =	simm.s32 $0x0;
	[bflag:$0x0] =	sbarrier.arrive $0xFFFF  }
0x20: {  	[tilespmem:s18], [sflag:$0x1] =	stream.indirect.gather [hbm4b:s4+s17], $0x80, s25, s17, $0xb8;
	[tilespmem:$0x1C200] =	vst v63  }
0x21: {  	s29 =	simm.s32 $0x80  }
0x22: {  	[tilespmem:s19], [sflag:$0x2] =	stream.indirect.gather [hbm4b:s4+s17], $0x80, s29, s17, $0xb8;
	[tilespmem:$0x1C200] =	vst v63  }
0x23: {  	_ =	swait.ge [sflag:s20], $0x4000  }
0x24: {  	[sflag:s20] =	ssyncset.done $0x0  }
0x25: {  	s30 =	simm.s32 $0x5000;
	[sflag:s20] =	ssyncadd.s32 $0xFFFFC000  }
0x26: {  	[spmem:s2] =	stream.indirect.scatter.add.f32 [tilespmem:s18], [sflag:$0x3], $0x80, s30, s17, $0xb8;
	[tilespmem:$0x1C200] =	vst v63  }
0x27: {  	_ =	swait.ge [sflag:s21], $0x4000  }
0x28: {  	[sflag:s21] =	ssyncset.done $0x0  }
0x29: {  	s31 =	simm.s32 $0x5080;
	[sflag:s21] =	ssyncadd.s32 $0xFFFFC000  }
0x2a: {  	[spmem:s2] =	stream.indirect.scatter.add.f32 [tilespmem:s19], [sflag:$0x4], $0x80, s31, s17, $0xb8;
	[tilespmem:$0x1C200] =	vst v63  }
0x2b: {  	_ =	swait.ge [sflag:s22], $0x4000  }
0x2c: {  	[sflag:s22] =	ssyncset.done $0x0  }
0x2d: {  	[sflag:s22] =	ssyncadd.s32 $0xFFFFC000  }
0x2e: {  	_ =	swait.ge [sflag:s23], $0x4000  }
0x2f: {  	s26 =	simm.s32 $0x800;
	s25 =	simm.s32 $0x400;
	[sflag:s23] =	ssyncset.done $0x0  }
.LBB2_2:
0x30: {  	s28 =	sshra.s32 s25, $0x2  }
0x31: {  	[sflag:s23] =	ssyncadd.s32 $0xFFFFC000;
	s25 =	smov.u32 s26;
	s29 =	sadd.s32 $0x400, s26  }
0x32: {  	[tilespmem:s18], [sflag:$0x1] =	stream.indirect.gather [hbm4b:s4+s17], $0x80, s28, s17, $0xb8;
	[tilespmem:$0x1C200] =	vst v63  }
0x33: {  	p0 =	sne.s32 s26, $0x13C00;
	s26 =	sadd.s32 $0x80, s28  }
0x34: {  	[tilespmem:s19], [sflag:$0x2] =	stream.indirect.gather [hbm4b:s4+s17], $0x80, s26, s17, $0xb8;
	[tilespmem:$0x1C200] =	vst v63  }
0x35: {  	_ =	swait.ge [sflag:s20], $0x4000  }
0x36: {  	[sflag:s20] =	ssyncset.done $0x0  }
0x37: {  	s26 =	sadd.s32 $0x5000, s28;
	[sflag:s20] =	ssyncadd.s32 $0xFFFFC000  }
0x38: {  	[spmem:s2] =	stream.indirect.scatter.add.f32 [tilespmem:s18], [sflag:$0x3], $0x80, s26, s17, $0xb8;
	[tilespmem:$0x1C200] =	vst v63  }
0x39: {  	_ =	swait.ge [sflag:s21], $0x4000  }
0x3a: {  	[sflag:s21] =	ssyncset.done $0x0  }
0x3b: {  	s26 =	sadd.s32 $0x5080, s28;
	[sflag:s21] =	ssyncadd.s32 $0xFFFFC000  }
0x3c: {  	[spmem:s2] =	stream.indirect.scatter.add.f32 [tilespmem:s19], [sflag:$0x4], $0x80, s26, s17, $0xb8;
	[tilespmem:$0x1C200] =	vst v63  }
.Ltmp0:
0x3d: {  	_ =	swait.ge [sflag:s22], $0x4000;
	(pc) =	sbr.rel @p0 .LBB2_2-.Ltmp0, $4  }
0x3e: {  	[sflag:s22] =	ssyncset.done $0x0  }
0x3f: {  	[sflag:s22] =	ssyncadd.s32 $0xFFFFC000  }
0x40: {  	_ =	swait.ge [sflag:s23], $0x4000  }
0x41: {  	s26 =	smov.u32 s29;
	[sflag:s23] =	ssyncset.done $0x0  }
0x42: {  	s25 =	sshra.s32 s25, $0x2;
	[sflag:s23] =	ssyncadd.s32 $0xFFFFC000  }
0x43: {  	[tilespmem:s18], [sflag:$0x1] =	stream.indirect.gather [hbm4b:s4+s17], $0x80, s25, s17, $0xb8;
	[tilespmem:$0x1C200] =	vst v63  }
0x44: {  	s26 =	sadd.s32 $0x80, s25  }
0x45: {  	[tilespmem:s19], [sflag:$0x2] =	stream.indirect.gather [hbm4b:s4+s17], $0x80, s26, s17, $0xb8;
	[tilespmem:$0x1C200] =	vst v63  }
0x46: {  	_ =	swait.ge [sflag:s20], $0x4000  }
0x47: {  	[sflag:s20] =	ssyncset.done $0x0  }
0x48: {  	s31 =	sadd.s32 $0x5000, s25;
	[sflag:s20] =	ssyncadd.s32 $0xFFFFC000  }
0x49: {  	[spmem:s2] =	stream.indirect.scatter.add.f32 [tilespmem:s18], [sflag:$0x3], $0x80, s31, s17, $0xb8;
	[tilespmem:$0x1C200] =	vst v63  }
0x4a: {  	_ =	swait.ge [sflag:s21], $0x4000  }
0x4b: {  	[sflag:s21] =	ssyncset.done $0x0  }
0x4c: {  	s25 =	sadd.s32 $0x5080, s25;
	[sflag:s21] =	ssyncadd.s32 $0xFFFFC000  }
0x4d: {  	[spmem:s2] =	stream.indirect.scatter.add.f32 [tilespmem:s19], [sflag:$0x4], $0x80, s25, s17, $0xb8;
	[tilespmem:$0x1C200] =	vst v63  }
0x4e: {  	_ =	swait.ge [sflag:s22], $0x4000  }
0x4f: {  	[sflag:s22] =	ssyncset.done $0x0  }
0x50: {  	[sflag:s22] =	ssyncadd.s32 $0xFFFFC000  }
0x51: {  	_ =	swait.ge [sflag:s23], $0x4000  }
0x52: {  	[sflag:s23] =	ssyncset.done $0x0  }
0x53: {  	[sflag:s23] =	ssyncadd.s32 $0xFFFFC000  }
0x54: {  	[bflag:$0x0] =	sbarrier.arrive $0xFFFF  }
0x55: {  	[hbm:s8], [sflag:s15] =	dma.local [spmem:s16], $0x1400  }
0x56: {  	_ =	swait.ge [sflag:s13], $0x1400  }
0x57: {  	[sflag:s13] =	ssyncset.done $0x0  }
0x58: {  	[sflag:s13] =	ssyncadd.s32 $0xFFFFEC00  }
0x59: {  	s26 =	simm.s32 $0x0;
	[bflag:$0x0] =	sbarrier.arrive $0xFFFF  }
0x5a: {  	[tilespmem:s14], [sflag:$0x5] =	stream.linear.gather [hbm4b:s9+s26], $0x5000, $0x38;
	[tilespmem:$0x1C200] =	vst v63  }
0x5b: {  	_ =	swait.ge [sflag:s13], $0x5000  }
0x5c: {  	[sflag:s13] =	ssyncset.done $0x0  }
0x5d: {  	[sflag:s13] =	ssyncadd.s32 $0xFFFFB000  }
0x5e: {  	[spmem:s16], [sflag:s15] =	dma.local [hbm:s10], $0x1400  }
0x5f: {  	_ =	swait.ge [sflag:s13], $0x1400  }
0x60: {  	[sflag:s13] =	ssyncset.done $0x0  }
0x61: {  	[sflag:s13] =	ssyncadd.s32 $0xFFFFEC00  }
0x62: {  	s28 =	simm.s32 $0x0;
	[bflag:$0x0] =	sbarrier.arrive $0xFFFF  }
0x63: {  	[tilespmem:s18], [sflag:$0x1] =	stream.indirect.gather [hbm4b:s4+s17], $0x80, s28, s17, $0xb8;
	[tilespmem:$0x1C200] =	vst v63  }
0x64: {  	s29 =	simm.s32 $0x80  }
0x65: {  	[tilespmem:s19], [sflag:$0x2] =	stream.indirect.gather [hbm4b:s4+s17], $0x80, s29, s17, $0xb8;
	[tilespmem:$0x1C200] =	vst v63  }
0x66: {  	_ =	swait.ge [sflag:s20], $0x4000  }
0x67: {  	[sflag:s20] =	ssyncset.done $0x0  }
0x68: {  	s30 =	simm.s32 $0x5000;
	[sflag:s20] =	ssyncadd.s32 $0xFFFFC000  }
0x69: {  	[spmem:s2] =	stream.indirect.scatter.add.f32 [tilespmem:s18], [sflag:$0x3], $0x80, s30, s17, $0xb8;
	[tilespmem:$0x1C200] =	vst v63  }
0x6a: {  	_ =	swait.ge [sflag:s21], $0x4000  }
0x6b: {  	[sflag:s21] =	ssyncset.done $0x0  }
0x6c: {  	s31 =	simm.s32 $0x5080;
	[sflag:s21] =	ssyncadd.s32 $0xFFFFC000  }
0x6d: {  	[spmem:s2] =	stream.indirect.scatter.add.f32 [tilespmem:s19], [sflag:$0x4], $0x80, s31, s17, $0xb8;
	[tilespmem:$0x1C200] =	vst v63  }
0x6e: {  	_ =	swait.ge [sflag:s22], $0x4000  }
0x6f: {  	[sflag:s22] =	ssyncset.done $0x0  }
0x70: {  	[sflag:s22] =	ssyncadd.s32 $0xFFFFC000  }
0x71: {  	_ =	swait.ge [sflag:s23], $0x4000  }
0x72: {  	s25 =	simm.s32 $0x400;
	s26 =	simm.s32 $0x800;
	[sflag:s23] =	ssyncset.done $0x0  }
.LBB2_4:
0x73: {  	s28 =	sshra.s32 s25, $0x2  }
0x74: {  	[sflag:s23] =	ssyncadd.s32 $0xFFFFC000;
	s25 =	smov.u32 s26;
	s29 =	sadd.s32 $0x400, s26  }
0x75: {  	[tilespmem:s18], [sflag:$0x1] =	stream.indirect.gather [hbm4b:s4+s17], $0x80, s28, s17, $0xb8;
	[tilespmem:$0x1C200] =	vst v63  }
0x76: {  	p0 =	sne.s32 s26, $0x13C00;
	s26 =	sadd.s32 $0x80, s28  }
0x77: {  	[tilespmem:s19], [sflag:$0x2] =	stream.indirect.gather [hbm4b:s4+s17], $0x80, s26, s17, $0xb8;
	[tilespmem:$0x1C200] =	vst v63  }
0x78: {  	_ =	swait.ge [sflag:s20], $0x4000  }
0x79: {  	[sflag:s20] =	ssyncset.done $0x0  }
0x7a: {  	s26 =	sadd.s32 $0x5000, s28;
	[sflag:s20] =	ssyncadd.s32 $0xFFFFC000  }
0x7b: {  	[spmem:s2] =	stream.indirect.scatter.add.f32 [tilespmem:s18], [sflag:$0x3], $0x80, s26, s17, $0xb8;
	[tilespmem:$0x1C200] =	vst v63  }
0x7c: {  	_ =	swait.ge [sflag:s21], $0x4000  }
0x7d: {  	[sflag:s21] =	ssyncset.done $0x0  }
0x7e: {  	s26 =	sadd.s32 $0x5080, s28;
	[sflag:s21] =	ssyncadd.s32 $0xFFFFC000  }
0x7f: {  	[spmem:s2] =	stream.indirect.scatter.add.f32 [tilespmem:s19], [sflag:$0x4], $0x80, s26, s17, $0xb8;
	[tilespmem:$0x1C200] =	vst v63  }
.Ltmp1:
0x80: {  	_ =	swait.ge [sflag:s22], $0x4000;
	(pc) =	sbr.rel @p0 .LBB2_4-.Ltmp1, $4  }
0x81: {  	[sflag:s22] =	ssyncset.done $0x0  }
0x82: {  	[sflag:s22] =	ssyncadd.s32 $0xFFFFC000  }
0x83: {  	_ =	swait.ge [sflag:s23], $0x4000  }
0x84: {  	s26 =	smov.u32 s29;
	[sflag:s23] =	ssyncset.done $0x0  }
0x85: {  	s25 =	sshra.s32 s25, $0x2;
	[sflag:s23] =	ssyncadd.s32 $0xFFFFC000  }
0x86: {  	[tilespmem:s18], [sflag:$0x1] =	stream.indirect.gather [hbm4b:s4+s17], $0x80, s25, s17, $0xb8;
	[tilespmem:$0x1C200] =	vst v63  }
0x87: {  	s26 =	sadd.s32 $0x80, s25  }
0x88: {  	[tilespmem:s19], [sflag:$0x2] =	stream.indirect.gather [hbm4b:s4+s17], $0x80, s26, s17, $0xb8;
	[tilespmem:$0x1C200] =	vst v63  }
0x89: {  	_ =	swait.ge [sflag:s20], $0x4000  }
0x8a: {  	[sflag:s20] =	ssyncset.done $0x0  }
0x8b: {  	s31 =	sadd.s32 $0x5000, s25;
	[sflag:s20] =	ssyncadd.s32 $0xFFFFC000  }
0x8c: {  	[spmem:s2] =	stream.indirect.scatter.add.f32 [tilespmem:s18], [sflag:$0x3], $0x80, s31, s17, $0xb8;
	[tilespmem:$0x1C200] =	vst v63  }
0x8d: {  	_ =	swait.ge [sflag:s21], $0x4000  }
0x8e: {  	[sflag:s21] =	ssyncset.done $0x0  }
0x8f: {  	s25 =	sadd.s32 $0x5080, s25;
	[sflag:s21] =	ssyncadd.s32 $0xFFFFC000  }
0x90: {  	[spmem:s2] =	stream.indirect.scatter.add.f32 [tilespmem:s19], [sflag:$0x4], $0x80, s25, s17, $0xb8;
	[tilespmem:$0x1C200] =	vst v63  }
0x91: {  	_ =	swait.ge [sflag:s22], $0x4000  }
0x92: {  	[sflag:s22] =	ssyncset.done $0x0  }
0x93: {  	[sflag:s22] =	ssyncadd.s32 $0xFFFFC000  }
0x94: {  	_ =	swait.ge [sflag:s23], $0x4000  }
0x95: {  	[sflag:s23] =	ssyncset.done $0x0  }
0x96: {  	s24 =	sadd.s32 $0x1, s24;
	[sflag:s23] =	ssyncadd.s32 $0xFFFFC000  }
0x97: {  	p0 =	sne.s32 s24, s12;
	[bflag:$0x0] =	sbarrier.arrive $0xFFFF  }
0x98: {  	[hbm:s11], [sflag:s15] =	dma.local [spmem:s16], $0x1400  }
.Ltmp2:
0x99: {  	_ =	swait.ge [sflag:s13], $0x1400;
	(pc) =	sbr.rel @p0 .LBB2_1-.Ltmp2, $3  }
0x9a: {  	[sflag:s13] =	ssyncset.done $0x0  }
0x9b: {  	[sflag:s13] =	ssyncadd.s32 $0xFFFFEC00  }
0x9c: {  	[bflag:$0x0] =	sbarrier.arrive $0xFFFF;
	_ =	sdelay $0x1  }
0x9d: {  	_ =	sfence.sel $0x180000  }
0x9e: {  	[bflag:$0x0] =	sbarrier.arrive $0xFFFF  }
0x9f: {  	p0 =	sne.s32 s1, $0x0;
	_ =	strace $0x9000004D  }
0xa0: {  	s0 =	sadd.s32 @!p0 $0x100000, s0;
	[bflag:$0x2] =	sbarrier.arrive $0xFFFF  }
0xa1: {  	[sflag:s0] =	ssyncadd.tile.s32 @!p0 $0x1;
	_ =	shalt  }
.Lfunc_end2:
_tile_overlayer_lowered:
.L_overlay_start_2:
0xa2: {  	(tag) =	ssettag $0x2  }
0xa3: {  	s0 =	rddreg [dreg:$0x0];
	s2 =	stileid.u32  }
0xa4: {  	s1 =	rddreg [dreg:$0x1];
	p0 =	sne.s32 s2, $0x0  }
0xa5: {  	s3 =	rddreg [dreg:$0x2];
	[bflag:$0x3] =	sbarrier.arrive $0xFFFF;
	s2 =	simm.s32 @!p0 $0x1C05  }
0xa6: {  	[timem:s3], [sflag:s2] =	dma.local @!p0 [hbm:s0], s1  }
0xa7: {  	s0 =	simm.s32 @!p0 $0x5  }
0xa8: {  	_ =	swait.ge @!p0 [sflag:s0], s1  }
0xa9: {  	s1 =	ssub.s32 @!p0 $0x0, s1;
	[sflag:s0] =	ssyncset.done @!p0 $0x0  }
0xaa: {  	[sflag:s0] =	ssyncadd.s32 @!p0 s1  }
0xab: {  	[bflag:$0x3] =	sbarrier.arrive $0xFFFF  }
0xac: {  	_ =	shalt  }

// kernel: kernel.8.cloned.1.call-start
scs
__scs_entry_jumppad:
0x0: {  	(pc) =	sbr.rel $0x88, $3  }
0x1: {  	(tag) =	ssettag $0x0;
	lr =	simm.s32 $0x1  }
0x2: {  	[smem:$0x3F99] =	sst lr;
	_ =	strace $0xD0000000  }
0x3: {  	_ = 	snop  }
0x4: {  	_ = 	snop  }
0x5: {  	_ = 	snop  }
0x6: {  	_ = 	snop  }
0x7: {  	_ = 	snop  }
__scs_overlays_trampoline_lowered:
0x8: {  	[smem:$0x3FA8] =	sst s0  }
0x9: {  	[smem:$0x3FA9] =	sst s1  }
0xa: {  	[smem:$0x3FAA] =	sst s2  }
0xb: {  	[smem:$0x3FAB] =	sst s3  }
0xc: {  	[smem:$0x3FAC] =	sst s4  }
0xd: {  	[smem:$0x3FAD] =	sst s5  }
0xe: {  	[smem:$0x3FAE] =	sst s6  }
0xf: {  	[smem:$0x3FAF] =	sst s7  }
0x10: {  	[smem:$0x3FB0] =	sst s8  }
0x11: {  	[smem:$0x3FB1] =	sst s9;
	s0 =	simm.s32 @!p0 $0x0  }
0x12: {  	s1 =	sld [smem:$0x3F97];
	s0 =	simm.s32 @p0 $0x1  }
0x13: {  	[smem:$0x3FB2] =	sst s0;
	s0 =	simm.s32 @!p1 $0x0  }
0x14: {  	s2 =	sld [smem:$0x3F96];
	s0 =	simm.s32 @p1 $0x1  }
0x15: {  	[smem:$0x3FB3] =	sst s0;
	s0 =	simm.s32 @!p2 $0x0  }
0x16: {  	s3 =	sld [smem:$0x3FDB];
	s0 =	simm.s32 @p2 $0x1  }
0x17: {  	s4 =	simm.s32 $0x1BF5;
	[smem:$0x3FB5] =	sst s0  }
0x18: {  	s0 =	sld [smem:$0x3F98];
	_ =	swait.ge [sflag:s4], $0x0  }
0x19: {  	s7 =	sld [smem:$0x3F99]  }
0x1a: {  	s8 =	sadd.s32 $0xFFFFE003, lr  }
0x1b: {  	s9 =	sadd.s32 $0xFFFFFEF7, lr;
	s5 =	simm.s32 $0xFFFFFFFF;
	p2 =	slt.u32 s8, $0xFFFFF086  }
0x1c: {  	p1 =	slt.u32 s9, $0xF7A;
	s5 =	simm.s32 @!p2 $0x0  }
0x1d: {  	s5 =	simm.s32 @p1 $0x1;
	p0 =	seq.s32 s7, s2  }
0x1e: {  	s7 =	smul.u32 @!p0 $0xF7A, s2;
	p2 =	seq.s32 @!p0 s5, $0x0  }
0x1f: {  	s9 =	smul.u32 $0xF7A, s1;
	s8 =	simm.s32 @!p0 $0x1BF5;
	p2 =	por !p2, p0  }
0x20: {  	[sflag:s8] =	ssyncset.s32 @!p0 $0xFFFFF086;
	s6 =	sadd.s32 @!p0 s3, s7;
	s7 =	simm.s32 @!p0 $0x108  }
0x21: {  	s3 =	sadd.s32 s3, s9;
	s6 =	sadd.s32 @!p0 $0x88, s6;
	s7 =	simm.s32 @p2 $0x1082  }
0x22: {  	[simem:s7], [sflag:s8] =	dma.local @!p0 [hbm:s6], $0xF7A  }
0x23: {  	s9 =	sor.u32 $0xD0000000, s2;
	s6 =	simm.s32 $0x108;
	_ =	swait.ge @!p0 [sflag:s8], $0x0  }
0x24: {  	s3 =	sadd.s32 $0x88, s3;
	s6 =	simm.s32 @!p1 $0x1082;
	[sflag:s4] =	ssyncset.s32 $0xFFFFF086  }
0x25: {  	[simem:s6], [sflag:s4] =	dma.local [hbm:s3], $0xF7A  }
0x26: {  	[smem:$0x3F99] =	sst s1;
	(tag) =	ssettag s2;
	_ =	strace s9  }
0x27: {  	s1 =	sld [smem:$0x3FA9]  }
0x28: {  	s2 =	sld [smem:$0x3FAA]  }
0x29: {  	s4 =	sld [smem:$0x3FAC]  }
0x2a: {  	p0 =	seq.s32 s5, $0x0;
	s5 =	sld [smem:$0x3FAD]  }
0x2b: {  	s6 =	sld [smem:$0x3FAE]  }
0x2c: {  	s7 =	sld [smem:$0x3FAF]  }
0x2d: {  	s3 =	simm.s32 $0x108;
	s8 =	sld [smem:$0x3FB0]  }
0x2e: {  	s3 =	simm.s32 @!p0 $0x1082;
	s9 =	sld [smem:$0x3FB1]  }
0x2f: {  	lr =	sadd.s32 s0, s3;
	s0 =	sld [smem:$0x3FA8]  }
0x30: {  	s3 =	sld [smem:$0x3FAB]  }
0x31: {  	[smem:$0x3FB4] =	sst s10  }
0x32: {  	s10 =	sld [smem:$0x3FB2];
	_ =	sdelay $0x3  }
0x33: {  	p0 =	seq.s32 s10, $0x1;
	s10 =	sld [smem:$0x3FB4];
	_ =	sdelay $0x3  }
0x34: {  	[smem:$0x3FB4] =	sst s10  }
0x35: {  	s10 =	sld [smem:$0x3FB3];
	_ =	sdelay $0x3  }
0x36: {  	p1 =	seq.s32 s10, $0x1;
	s10 =	sld [smem:$0x3FB4];
	_ =	sdelay $0x3  }
0x37: {  	[smem:$0x3FB4] =	sst s10  }
0x38: {  	s10 =	sld [smem:$0x3FB5]  }
0x39: {  	_ = 	snop;
	(pc) =	sbr.ind lr, $3  }
0x3a: {  	_ = 	snop  }
0x3b: {  	_ = 	snop  }
0x3c: {  	p2 =	seq.s32 s10, $0x1;
	s10 =	sld [smem:$0x3FB4]  }
0x3d: {  	_ =	shalt  }
0x3e: {  	_ =	shalt  }
0x3f: {  	_ =	shalt  }
0x40: {  	_ =	shalt  }
0x41: {  	_ =	shalt  }
0x42: {  	_ =	shalt  }
0x43: {  	_ =	shalt  }
0x44: {  	_ =	shalt  }
0x45: {  	_ =	shalt  }
0x46: {  	_ =	shalt  }
0x47: {  	_ =	shalt  }
0x48: {  	_ =	shalt  }
0x49: {  	_ =	shalt  }
0x4a: {  	_ =	shalt  }
0x4b: {  	_ =	shalt  }
0x4c: {  	_ =	shalt  }
0x4d: {  	_ =	shalt  }
0x4e: {  	_ =	shalt  }
0x4f: {  	_ =	shalt  }
0x50: {  	_ =	shalt  }
0x51: {  	_ =	shalt  }
0x52: {  	_ =	shalt  }
0x53: {  	_ =	shalt  }
0x54: {  	_ =	shalt  }
0x55: {  	_ =	shalt  }
0x56: {  	_ =	shalt  }
0x57: {  	_ =	shalt  }
0x58: {  	_ =	shalt  }
0x59: {  	_ =	shalt  }
0x5a: {  	_ =	shalt  }
0x5b: {  	_ =	shalt  }
0x5c: {  	_ =	shalt  }
0x5d: {  	_ =	shalt  }
0x5e: {  	_ =	shalt  }
0x5f: {  	_ =	shalt  }
0x60: {  	_ =	shalt  }
0x61: {  	_ =	shalt  }
0x62: {  	_ =	shalt  }
0x63: {  	_ =	shalt  }
0x64: {  	_ =	shalt  }
0x65: {  	_ =	shalt  }
0x66: {  	_ =	shalt  }
0x67: {  	_ =	shalt  }
0x68: {  	_ =	shalt  }
0x69: {  	_ =	shalt  }
0x6a: {  	_ =	shalt  }
0x6b: {  	_ =	shalt  }
0x6c: {  	_ =	shalt  }
0x6d: {  	_ =	shalt  }
0x6e: {  	_ =	shalt  }
0x6f: {  	_ =	shalt  }
0x70: {  	_ =	shalt  }
0x71: {  	_ =	shalt  }
0x72: {  	_ =	shalt  }
0x73: {  	_ =	shalt  }
0x74: {  	_ =	shalt  }
0x75: {  	_ =	shalt  }
0x76: {  	_ =	shalt  }
0x77: {  	_ =	shalt  }
0x78: {  	_ =	shalt  }
0x79: {  	_ =	shalt  }
0x7a: {  	_ =	shalt  }
0x7b: {  	_ =	shalt  }
0x7c: {  	_ =	shalt  }
0x7d: {  	_ =	shalt  }
0x7e: {  	_ =	shalt  }
0x7f: {  	_ =	shalt  }
0x80: {  	_ =	shalt  }
0x81: {  	_ =	shalt  }
0x82: {  	_ =	shalt  }
0x83: {  	_ =	shalt  }
0x84: {  	_ =	shalt  }
0x85: {  	_ =	shalt  }
0x86: {  	_ =	shalt  }
0x87: {  	_ =	shalt  }
.Lfunc_end0:
.L_simem_size_0:
called_computation_lowered:
.L_overlay_start_0:
0x88: {  	s2 =	sld [smem:$0x3FD9]  }
0x89: {  	s3 =	sld [smem:$0x3FFE];
	_ =	sdelay $0x1  }
0x8a: {  	s1 =	srdreg.scid  }
0x8b: {  	s0 =	sand.u32 $0x1, s1  }
0x8c: {  	s14 =	sshll.u32 s0, $0xA;
	s2 =	sadd.s32 s3, s2  }
0x8d: {  	s2 =	sadd.s32 s2, s14  }
0x8e: {  	[smem:$0x3FC0] =	sst s2  }
0x8f: {  	_ = 	snop  }
0x90: {  	s2 =	sld [smem:$0x3FD0];
	_ =	sdelay $0x2  }
0x91: {  	s15 =	simm.s32 $0xA;
	s4 =	simm.s32 $0x10  }
0x92: {  	[smem:s4], [sflag:s15] =	dma.local [hbm:s2], $0x1  }
0x93: {  	_ =	swait.eq [sflag:s15], $0x1  }
0x94: {  	[sflag:s15] =	ssyncset.done $0x0  }
0x95: {  	[sflag:s15] =	ssyncadd.s32 $0xFFFFFFFF  }
0x96: {  	s16 =	sld [smem:$0x11];
	(tm) =	ssettm $0x1  }
0x97: {  	s17 =	sld [smem:$0x3FFB];
	_ =	sdelay $0x3  }
0x98: {  	_ =	strace s17  }
0x99: {  	s3 =	sld [smem:$0x3FFC];
	_ =	sdelay $0x3  }
0x9a: {  	_ =	strace s3  }
0x9b: {  	s3 =	sld [smem:$0x3FFD];
	_ =	sdelay $0x3  }
0x9c: {  	_ =	strace s3  }
0x9d: {  	_ =	strace $0x8FFFFFFF  }
0x9e: {  	s18 =	sld [smem:$0x3FDB];
	_ =	sdelay $0x1  }
0x9f: {  	s19 =	simm.s32 $_scs_section_size  }
0xa0: {  	s5 =	simm.s32 $_size__tile_overlayer_lowered;
	s6 =	simm.s32 $_tile_overlayer_lowered  }
0xa1: {  	s22 =	simm.s32 $0x1BFF;
	s21 =	sshll.u32 s6, $0x1;
	s3 =	sadd.s32 s19, s18  }
0xa2: {  	s7 =	simm.s32 $0x0;
	s20 =	sshll.u32 s5, $0x1;
	s5 =	sadd.s32 s21, s3  }
0xa3: {  	[timem:s7], [sflag:s22] =	dma.local [hbm:s5], s20  }
0xa4: {  	_ =	swait.ge [sflag:s22], s20  }
0xa5: {  	s4 =	ssub.s32 $0x0, s20;
	[sflag:s22] =	ssyncset.done $0x0  }
0xa6: {  	[sflag:s22] =	ssyncadd.s32 s4;
	_ =	sdelay $0x1  }
0xa7: {  	s23 =	simm.s32 $0x1B8B  }
0xa8: {  	_ =	swait.ge [sflag:s23], $0x1  }
0xa9: {  	[sflag:s23] =	ssyncset.done $0x0  }
0xaa: {  	s25 =	simm.s32 $0x1B8E;
	s24 =	sld [smem:$0x3FFE];
	[sflag:s23] =	ssyncadd.s32 $0xFFFFFFFF  }
0xab: {  	s26 =	simm.s32 $execute0_lowered;
	[smem:$0x3FD2] =	sst s25  }
0xac: {  	s5 =	sshll.u32 s26, $0x1;
	_ =	strace $0x80000046;
	[dreg:$0x1] =	wrdreg $0xFFFFFFFF  }
0xad: {  	s28 =	simm.s32 $_size_execute0_lowered;
	s3 =	sadd.s32 s3, s5;
	[dreg:$0x0] =	wrdreg $0x0  }
0xae: {  	s5 =	sshll.u32 s28, $0x1;
	[dreg:$0x2] =	wrdreg s3  }
0xaf: {  	[dreg:$0x3] =	wrdreg s5  }
0xb0: {  	[dreg:$0x4] =	wrdreg $0xC0  }
0xb1: {  	_ =	task [dreg:s7], $0x5FFFF  }
0xb2: {  	[dreg:$0x1] =	wrdreg $0xFFFFFFFF  }
0xb3: {  	[dreg:$0x0] =	wrdreg $0x60  }
0xb4: {  	[dreg:$0x2] =	wrdreg s16  }
0xb5: {  	[dreg:$0x3] =	wrdreg s24  }
0xb6: {  	[dreg:$0x4] =	wrdreg $0xA8000  }
0xb7: {  	[dreg:$0x5] =	wrdreg $0x9  }
0xb8: {  	_ =	task.clear_ibuf [dreg:s7], $0x6FFFF;
	_ =	strace $0x90000046  }
0xb9: {  	s29 =	simm.s32 $0x9;
	_ =	strace $0x80000048  }
0xba: {  	_ =	swait.ge [sflag:s29], $0x1  }
0xbb: {  	[sflag:s29] =	ssyncadd.s32 $0xFFFFFFFF  }
0xbc: {  	_ =	strace $0x90000048  }
0xbd: {  	_ =	sfence  }
0xbe: {  	s30 =	sld [smem:$0x0];
	_ =	sdelay $0x2  }
0xbf: {  	s31 =	sshll.u32 s1, $0xD;
	s1 =	sshrl.u32 s1, $0x2  }
0xc0: {  	s3 =	sand.u32 $0x4000, s31;
	s1 =	sadd.s32 s1, s30  }
0xc1: {  	s0 =	sor.u32 s3, s0;
	s1 =	sshll.u32 s1, $0x11  }
0xc2: {  	s0 =	sor.u32 s1, s0  }
0xc3: {  	s0 =	sadd.s32 $0x8F2B, s0  }
0xc4: {  	[sflag:s0] =	ssyncadd.remote.s32 $0x1  }
0xc5: {  	_ =	sfence.sel $0xFFFF  }
0xc6: {  	[dreg:$0x0] =	wrdreg $0xFFFFFFFF;
	(pc) =	sbr.abs _section_cstart, $3  }
0xc7: {  	[dreg:$0x1] =	wrdreg $0xFFFFFFFF  }
0xc8: {  	_ =	task.clear_ibuf [dreg:s7], $0x2FFFF;
	_ =	strace $0x9FFFFFFF  }
0xc9: {  	(tm) =	ssettm $0x7FFFFFFF  }
tec
execute0_lowered:
.L_overlay_start_1:
0x0: {  	(tag) =	ssettag $0x1  }
0x1: {  	s4 =	rddreg [dreg:$0x0]  }
0x2: {  	s5 =	rddreg [dreg:$0x1]  }
0x3: {  	s1 =	rddreg [dreg:$0x2]  }
0x4: {  	s2 =	srdreg.scid;
	s0 =	rddreg [dreg:$0x3];
	s3 =	simm.s32 $0x0  }
0x5: {  	s12 =	simm.s32 $0x1;
	s13 =	simm.s32 $0x2800;
	s6 =	sand.u32 $0x1, s2  }
0x6: {  	s14 =	simm.s32 $0x80;
	s2 =	stileid.u32;
	s7 =	smul.u32 $0x27800, s6  }
0x7: {  	s15 =	simm.s32 $0x6800;
	[smem:$0x7FF] =	sst s3;
	s8 =	smul.u32 $0x2780, s2  }
0x8: {  	s18 =	simm.s32 $0x0;
	_ =	strace $0x80000047;
	s9 =	smul.u32 $0x4F000, s2  }
0x9: {  	s28 =	sshll.u32 s6, $0x4;
	s6 =	ssub.s32 $0x2, s6;
	s10 =	smul.u32 $0x50000, s2  }
0xa: {  	p0 =	seq.s32 s2, $0xF;
	s16 =	sshll.u32 s2, $0x6;
	s29 =	sshrl.u32 s6, $0x1  }
0xb: {  	s16 =	sor.u32 $0x1C01, s16;
	s7 =	sadd.s32 s8, s7;
	s8 =	sor.u32 s2, s28  }
0xc: {  	s11 =	ssub.s32 s6, s29;
	s30 =	sshrl.u32 s9, $0x2;
	s31 =	sshrl.u32 s10, $0x2  }
0xd: {  	s7 =	sadd.s32 s7, s5;
	s8 =	smul.u32 $0x500, s8;
	s17 =	sadd.s32 s30, s1  }
0xe: {  	s5 =	sadd.s32 s31, s1;
	s6 =	sadd.s32 $0x2000, s7;
	s7 =	smax.u32 s11, $0x1  }
0xf: {  	s9 =	sadd.s32 $0x8000, s5;
	s10 =	sadd.s32 $0xC000, s5;
	s11 =	sadd.s32 $0x10000, s5  }
0x10: {  	v0 =	vimm.f32 $0.0e+00;
	v1 =	vimm.f32 $1.000000000e+00;
	s17 =	sshrl.u32 s17, $0x3;
	s4 =	sadd.s32 s4, s8;
	s8 =	sadd.s32 $0x4000, s5  }
.LBB2_1:
0x11: {  	s19 =	simm.s32 $0x200;
	s20 =	simm.s32 $0x0  }
.LBB2_2:
0x12: {  	p1 =	sne.s32 s19, $0xFE00;
	[tilespmem:s20+$0x2800] =	vst v0;
	s21 =	smov.u32 s19;
	s19 =	sadd.s32 $0x200, s19  }
.Ltmp0:
0x13: {  	[tilespmem:s20+$0x6800] =	vst v1;
	(pc) =	sbr.rel @p1 .LBB2_2-.Ltmp0, $2  }
0x14: {  	_ =	sdelay $0x2  }
0x15: {  	s20 =	sshra.s32 s21, $0x2  }
0x16: {  	[tilespmem:s20+$0x2800] =	vst v0  }
0x17: {  	[tilespmem:s20+$0x6800] =	vst v1  }
0x18: {  	[tilespmem:s3], [sflag:$0x1] =	stream.linear.gather [hbm4b:s4+s3], $0x2800, $0x38;
	[tilespmem:$0xCF80] =	vst v63  }
0x19: {  	_ =	swait.ge [sflag:s12], $0x2800  }
0x1a: {  	[sflag:s12] =	ssyncset.done $0x0  }
0x1b: {  	[sflag:s12] =	ssyncadd.s32 $0xFFFFD800  }
0x1c: {  	[spmem:s5] =	stream.linear.scatter [tilespmem:s13], [sflag:$0x1], $0x4000, $0x38;
	[tilespmem:$0xCF80] =	vst v63  }
0x1d: {  	_ =	swait.ge [sflag:s12], $0x4000  }
0x1e: {  	[sflag:s12] =	ssyncset.done $0x0  }
0x1f: {  	[sflag:s12] =	ssyncadd.s32 $0xFFFFC000  }
0x20: {  	[spmem:s8] =	stream.linear.scatter [tilespmem:s13], [sflag:$0x1], $0x4000, $0x38;
	[tilespmem:$0xCF80] =	vst v63  }
0x21: {  	_ =	swait.ge [sflag:s12], $0x4000  }
0x22: {  	[sflag:s12] =	ssyncset.done $0x0  }
0x23: {  	[sflag:s12] =	ssyncadd.s32 $0xFFFFC000  }
0x24: {  	[spmem:s9] =	stream.linear.scatter [tilespmem:s13], [sflag:$0x1], $0x4000, $0x38;
	[tilespmem:$0xCF80] =	vst v63  }
0x25: {  	_ =	swait.ge [sflag:s12], $0x4000  }
0x26: {  	[sflag:s12] =	ssyncset.done $0x0  }
0x27: {  	[sflag:s12] =	ssyncadd.s32 $0xFFFFC000  }
0x28: {  	[spmem:s10] =	stream.linear.scatter [tilespmem:s13], [sflag:$0x1], $0x4000, $0x38;
	[tilespmem:$0xCF80] =	vst v63  }
0x29: {  	_ =	swait.ge [sflag:s12], $0x4000  }
0x2a: {  	[sflag:s12] =	ssyncset.done $0x0  }
0x2b: {  	s19 =	simm.s32 @!p0 $0x2800;
	[sflag:s12] =	ssyncadd.s32 $0xFFFFC000  }
0x2c: {  	[spmem:s11] =	stream.linear.scatter @!p0 [tilespmem:s19], [sflag:$0x1], $0x4000, $0x38;
	[tilespmem:$0xCF80] =	vst v63  }
0x2d: {  	s19 =	simm.s32 @!p0 $0x1  }
0x2e: {  	_ =	swait.ge @!p0 [sflag:s19], $0x4000  }
0x2f: {  	[sflag:s19] =	ssyncset.done @!p0 $0x0  }
0x30: {  	[sflag:s19] =	ssyncadd.s32 @!p0 $0xFFFFC000  }
0x31: {  	s31 =	simm.s32 $0x0;
	[bflag:$0x0] =	sbarrier.arrive $0xFFFF  }
0x32: {  	[spmem:s1] =	stream.indirect.scatter.add.f32 [tilespmem:s15], [sflag:$0x1], $0x10, s31, s14, $0xb8;
	[tilespmem:$0xCF80] =	vst v63  }
0x33: {  	_ =	swait.ge [sflag:s12], $0x800  }
0x34: {  	s19 =	simm.s32 $0x200;
	[sflag:s12] =	ssyncset.done $0x0  }
.LBB2_4:
0x35: {  	s20 =	sshra.s32 s19, $0x2;
	[sflag:s12] =	ssyncadd.s32 $0xFFFFF800;
	p1 =	sne.s32 s19, $0x9E00  }
0x36: {  	[spmem:s1] =	stream.indirect.scatter.add.f32 [tilespmem:s15], [sflag:$0x1], $0x10, s20, s14, $0xb8;
	[tilespmem:$0xCF80] =	vst v63  }
.Ltmp1:
0x37: {  	_ = 	snop;
	(pc) =	sbr.rel @p1 .LBB2_4-.Ltmp1, $4  }
0x38: {  	_ = 	snop  }
0x39: {  	s19 =	sadd.s32 $0x200, s19  }
0x3a: {  	_ =	swait.ge [sflag:s12], $0x800  }
0x3b: {  	[sflag:s12] =	ssyncset.done $0x0  }
0x3c: {  	s18 =	sadd.s32 $0x1, s18  }
0x3d: {  	[sflag:s12] =	ssyncadd.s32 $0xFFFFF800;
	p1 =	sne.s32 s18, s7  }
.Ltmp2:
0x3e: {  	[bflag:$0x0] =	sbarrier.arrive $0xFFFF;
	(pc) =	sbr.rel @p1 .LBB2_1-.Ltmp2, $4  }
0x3f: {  	[hbm:s6], [sflag:s16] =	dma.local [spmem:s17], $0x2780  }
0x40: {  	_ =	swait.ge [sflag:s12], $0x2780  }
0x41: {  	[sflag:s12] =	ssyncset.done $0x0  }
0x42: {  	[sflag:s12] =	ssyncadd.s32 $0xFFFFD880  }
0x43: {  	_ =	sfence.sel $0x180000  }
0x44: {  	[bflag:$0x0] =	sbarrier.arrive $0xFFFF  }
0x45: {  	p0 =	sne.s32 s2, $0x0;
	_ =	strace $0x90000047  }
0x46: {  	s0 =	sadd.s32 @!p0 $0x100000, s0;
	[bflag:$0x2] =	sbarrier.arrive $0xFFFF  }
0x47: {  	[sflag:s0] =	ssyncadd.tile.s32 @!p0 $0x1;
	_ =	shalt  }
.Lfunc_end2:
_tile_overlayer_lowered:
.L_overlay_start_2:
0x48: {  	(tag) =	ssettag $0x2  }
0x49: {  	s0 =	rddreg [dreg:$0x0];
	s2 =	stileid.u32  }
0x4a: {  	s1 =	rddreg [dreg:$0x1];
	p0 =	sne.s32 s2, $0x0  }
0x4b: {  	s3 =	rddreg [dreg:$0x2];
	[bflag:$0x3] =	sbarrier.arrive $0xFFFF;
	s2 =	simm.s32 @!p0 $0x1C01  }
0x4c: {  	[timem:s3], [sflag:s2] =	dma.local @!p0 [hbm:s0], s1  }
0x4d: {  	s0 =	simm.s32 @!p0 $0x1  }
0x4e: {  	_ =	swait.ge @!p0 [sflag:s0], s1  }
0x4f: {  	s1 =	ssub.s32 @!p0 $0x0, s1;
	[sflag:s0] =	ssyncset.done @!p0 $0x0  }
0x50: {  	[sflag:s0] =	ssyncadd.s32 @!p0 s1  }
0x51: {  	[bflag:$0x3] =	sbarrier.arrive $0xFFFF  }
0x52: {  	_ =	shalt  }

</sc_bundles>
